<compile_context>
chip_gen: v7x
topology: tpu7x:2x2x1
jax: 0.10.2.dev20260603
libtpu: 0.0.44.dev20260713+nightly
codegen_flags: <defaults>
</compile_context>

<pallas_src>
import math
import functools

import jax
import jax.numpy as jnp
from jax import lax
from jax.experimental import pallas as pl
from jax.experimental.pallas import tpu as pltpu
from jax.experimental.pallas import tpu_sc as plsc

H = 768
NH = 12
DH = 64
HALF = DH // 2
E = 16
DFF = 256
EPS = 1e-06
THETA = 10000.0
S = 2048

TSA = 256
TSQ = 512
TSC = 512
TM = 128
NT = 32
TP = NT * TM

SC_NC = 2
SC_NS = 16
SC_NW = SC_NC * SC_NS
TOK_W = S // SC_NW


def _dot_t(a, b):
    return lax.dot_general(a, b, (((1,), (1,)), ((), ())),
                           preferred_element_type=jnp.float32)


def _silu(x):
    return x * (1.0 / (1.0 + jnp.exp(-x)))



def _stage_a_body(x_ref, w_in_ref, qkvw_ref, bd_ref, qlnf_ref, klnf_ref,
                  tc_ref, ts_ref, q_ref, k_ref, v_ref):
    i = pl.program_id(0)
    x = x_ref[...]
    var = jnp.mean(x * x, axis=1, keepdims=True)
    xn = x * lax.rsqrt(var + EPS) * w_in_ref[...]
    qkv = _dot_t(xn, qkvw_ref[...])

    pos = (i * TSA + lax.broadcasted_iota(jnp.int32, (TSA, 1), 0)
           ).astype(jnp.float32)
    jj = lax.broadcasted_iota(jnp.int32, (1, HALF), 1).astype(jnp.float32)
    inv_freq = jnp.exp(jj * (-math.log(THETA) / HALF))
    ang = pos * inv_freq
    c = _dot_nt(jnp.cos(ang), tc_ref[...])
    s = _dot_nt(jnp.sin(ang), ts_ref[...])
    col = lax.broadcasted_iota(jnp.int32, (1, H), 1)
    first_half = lax.rem(col, DH) < HALF

    def norm_rope(mat, wfull):
        gs = lax.dot_general(mat * mat, bd_ref[...],
                             (((1,), (0,)), ((), ())),
                             preferred_element_type=jnp.float32)
        mn = mat * lax.rsqrt(gs * (1.0 / DH) + EPS) * wfull
        swapped = jnp.where(
            first_half,
            jnp.roll(mn, -HALF, axis=1),
            jnp.roll(mn, HALF, axis=1))
        return mn * c + swapped * s

    q_ref[...] = norm_rope(qkv[:, :H], qlnf_ref[...])
    k_ref[...] = norm_rope(qkv[:, H:2 * H], klnf_ref[...])
    v_ref[...] = qkv[:, 2 * H:]


def _stage_a(x, w_in, qkv_w, bd, q_lnf, k_lnf, tc, ts):
    n = S // TSA
    return pl.pallas_call(
        _stage_a_body,
        grid=(n,),
        in_specs=[
            pl.BlockSpec((TSA, H), lambda i: (i, 0)),
            pl.BlockSpec((1, H), lambda i: (0, 0)),
            pl.BlockSpec((3 * H, H), lambda i: (0, 0)),
            pl.BlockSpec((H, H), lambda i: (0, 0)),
            pl.BlockSpec((1, H), lambda i: (0, 0)),
            pl.BlockSpec((1, H), lambda i: (0, 0)),
            pl.BlockSpec((HALF, H), lambda i: (0, 0)),
            pl.BlockSpec((HALF, H), lambda i: (0, 0)),
        ],
        out_specs=[
            pl.BlockSpec((TSA, H), lambda i: (i, 0)),
            pl.BlockSpec((TSA, H), lambda i: (i, 0)),
            pl.BlockSpec((TSA, H), lambda i: (i, 0)),
        ],
        out_shape=[jax.ShapeDtypeStruct((S, H), jnp.float32)] * 3,
    )(x, w_in, qkv_w, bd, q_lnf, k_lnf, tc, ts)



def _dot_nt(a, b):
    return lax.dot_general(a, b, (((1,), (0,)), ((), ())),
                           preferred_element_type=jnp.float32)


TSB = 1024


def _stage_b_call(q, k, v, qi):
    w = (qi + 1) * TSB
    wm = w - TSB
    scale = DH ** -0.5

    def body(q_ref, k_ref, v_ref, o_ref):
        qv = q_ref[...]
        kv = k_ref[...]
        vv = v_ref[...]
        rows = lax.broadcasted_iota(jnp.int32, (TSB, 1), 0)
        cols = lax.broadcasted_iota(jnp.int32, (1, TSB), 1)
        dmask = cols <= rows
        outs = []
        for sub in range(2):
            qh = qv[:, sub * DH:(sub + 1) * DH]
            kh = kv[:, sub * DH:(sub + 1) * DH]
            vh = vv[:, sub * DH:(sub + 1) * DH]
            sd = _dot_t(qh, kh[wm:, :]) * scale
            pd = jnp.where(dmask, jnp.exp(sd), 0.0)
            l = jnp.sum(pd, axis=1, keepdims=True)
            ctx = _dot_nt(pd, vh[wm:, :])
            if wm > 0:
                sm = _dot_t(qh, kh[:wm, :]) * scale
                pm = jnp.exp(sm)
                l = l + jnp.sum(pm, axis=1, keepdims=True)
                ctx = ctx + _dot_nt(pm, vh[:wm, :])
            outs.append(ctx * (1.0 / l))
        o_ref[...] = jnp.concatenate(outs, axis=1)

    npair = NH // 2
    return pl.pallas_call(
        body,
        grid=(npair,),
        in_specs=[
            pl.BlockSpec((TSB, 2 * DH), lambda p: (qi, p)),
            pl.BlockSpec((w, 2 * DH), lambda p: (0, p)),
            pl.BlockSpec((w, 2 * DH), lambda p: (0, p)),
        ],
        out_specs=pl.BlockSpec((TSB, 2 * DH), lambda p: (0, p)),
        out_shape=jax.ShapeDtypeStruct((TSB, H), jnp.float32),
    )(q, k, v)


def _stage_b(q, k, v):
    parts = [_stage_b_call(q, k, v, qi) for qi in range(S // TSB)]
    return jnp.concatenate(parts, axis=0)



def _stage_c_body(ctx_ref, hid_ref, ow_ref, postw_ref, routw_ref,
                  sg_ref, su_ref, sd_ref,
                  base_ref, h2_ref, topw_ref, ti_ref, rank_ref, cnt_ref):
    i = pl.program_id(0)
    ctx = ctx_ref[...]
    attn_out = _dot_t(ctx, ow_ref[...])
    hidden2 = hid_ref[...] + attn_out
    var = jnp.mean(hidden2 * hidden2, axis=1, keepdims=True)
    h2 = hidden2 * lax.rsqrt(var + EPS) * postw_ref[...]
    h2_ref[...] = h2

    logits = _dot_t(h2, routw_ref[...])
    m = jnp.max(logits, axis=1, keepdims=True)
    p = jnp.exp(logits - m)
    p = p / jnp.sum(p, axis=1, keepdims=True)
    topw = jnp.max(p, axis=1, keepdims=True)
    ie = lax.broadcasted_iota(jnp.int32, p.shape, 1)
    ti = jnp.min(jnp.where(p == topw, ie, E), axis=1, keepdims=True)
    topw_ref[...] = topw
    ti_ref[...] = ti

    @pl.when(i == 0)
    def _():
        cnt_ref[...] = jnp.zeros_like(cnt_ref)

    oh = (ie == ti).astype(jnp.float32)
    ir = lax.broadcasted_iota(jnp.int32, (TSC, TSC), 0)
    ic = lax.broadcasted_iota(jnp.int32, (TSC, TSC), 1)
    strict_lower = (ic < ir).astype(jnp.float32)
    excl = lax.dot_general(strict_lower, oh, (((1,), (0,)), ((), ())),
                           preferred_element_type=jnp.float32)
    base_cnt = cnt_ref[...]
    rank_ref[...] = jnp.sum(oh * (excl + base_cnt), axis=1, keepdims=True)
    cnt_ref[...] = base_cnt + jnp.sum(oh, axis=0, keepdims=True)

    g = _dot_t(h2, sg_ref[...])
    u = _dot_t(h2, su_ref[...])
    shared = _dot_t(_silu(g) * u, sd_ref[...])
    base_ref[...] = hidden2 + shared


def _stage_c(ctx, hidden, o_w, post_w, rout_w, sg, su, sd):
    n = S // TSC
    return pl.pallas_call(
        _stage_c_body,
        grid=(n,),
        in_specs=[
            pl.BlockSpec((TSC, H), lambda i: (i, 0)),
            pl.BlockSpec((TSC, H), lambda i: (i, 0)),
            pl.BlockSpec((H, H), lambda i: (0, 0)),
            pl.BlockSpec((1, H), lambda i: (0, 0)),
            pl.BlockSpec((E, H), lambda i: (0, 0)),
            pl.BlockSpec((DFF, H), lambda i: (0, 0)),
            pl.BlockSpec((DFF, H), lambda i: (0, 0)),
            pl.BlockSpec((H, DFF), lambda i: (0, 0)),
        ],
        out_specs=[
            pl.BlockSpec((TSC, H), lambda i: (i, 0)),
            pl.BlockSpec((TSC, H), lambda i: (i, 0)),
            pl.BlockSpec((TSC, 1), lambda i: (i, 0)),
            pl.BlockSpec((TSC, 1), lambda i: (i, 0)),
            pl.BlockSpec((TSC, 1), lambda i: (i, 0)),
            pl.BlockSpec((1, E), lambda i: (0, 0)),
        ],
        out_shape=[
            jax.ShapeDtypeStruct((S, H), jnp.float32),
            jax.ShapeDtypeStruct((S, H), jnp.float32),
            jax.ShapeDtypeStruct((S, 1), jnp.float32),
            jax.ShapeDtypeStruct((S, 1), jnp.int32),
            jax.ShapeDtypeStruct((S, 1), jnp.float32),
            jax.ShapeDtypeStruct((1, E), jnp.float32),
        ],
    )(ctx, hidden, o_w, post_w, rout_w, sg, su, sd)



def _stage_f_body(ti_ref, rank_ref, cnt_ref, dest_ref, eot_ref, act_ref):
    cnt = cnt_ref[...]
    padded = jnp.floor((cnt + (TM - 1)) * (1.0 / TM)).astype(jnp.float32) * TM
    iel = lax.broadcasted_iota(jnp.int32, (E, E), 0)
    iec = lax.broadcasted_iota(jnp.int32, (E, E), 1)
    strict_lower = (iel < iec).astype(jnp.float32)
    off = lax.dot_general(padded, strict_lower, (((1,), (0,)), ((), ())),
                          preferred_element_type=jnp.float32)

    ti = ti_ref[...]
    ie = lax.broadcasted_iota(jnp.int32, (S, E), 1)
    oh = (ie == ti).astype(jnp.float32)
    dest = jnp.sum(oh * off, axis=1, keepdims=True) + rank_ref[...]
    dest_ref[...] = dest.astype(jnp.int32)

    end = off + padded
    tstart = (TM * lax.broadcasted_iota(jnp.int32, (1, NT), 1)
              ).astype(jnp.float32)
    ge = (jnp.broadcast_to(tstart.reshape(1, NT), (E, NT))
          >= jnp.broadcast_to(end.reshape(E, 1), (E, NT)))
    eot = jnp.sum(ge.astype(jnp.int32), axis=0, keepdims=True)
    eot_ref[...] = jnp.minimum(eot, E - 1)
    total = jnp.sum(padded, axis=1, keepdims=True)
    act_ref[...] = (tstart < total).astype(jnp.int32)


def _stage_f(ti, rank, cnt):
    return pl.pallas_call(
        _stage_f_body,
        grid=(1,),
        in_specs=[
            pl.BlockSpec((S, 1), lambda i: (0, 0)),
            pl.BlockSpec((S, 1), lambda i: (0, 0)),
            pl.BlockSpec((1, E), lambda i: (0, 0)),
        ],
        out_specs=[
            pl.BlockSpec((S, 1), lambda i: (0, 0)),
            pl.BlockSpec((1, NT), lambda i: (0, 0)),
            pl.BlockSpec((1, NT), lambda i: (0, 0)),
        ],
        out_shape=[
            jax.ShapeDtypeStruct((S, 1), jnp.int32),
            jax.ShapeDtypeStruct((1, NT), jnp.int32),
            jax.ShapeDtypeStruct((1, NT), jnp.int32),
        ],
    )(ti, rank, cnt)



def _sc_mesh():
    return plsc.VectorSubcoreMesh(core_axis_name="c", subcore_axis_name="s",
                                  num_cores=SC_NC, num_subcores=SC_NS)


def _sc_scatter(h2, dest32):
    @functools.partial(
        pl.kernel,
        out_type=jax.ShapeDtypeStruct((TP, H), jnp.float32),
        mesh=_sc_mesh(),
        scratch_types=[pltpu.VMEM((TOK_W,), jnp.int32),
                       pltpu.VMEM((TOK_W, H), jnp.float32),
                       pltpu.SemaphoreType.DMA],
    )
    def k(h2_hbm, dest_hbm, out_hbm, idx_v, rows_v, sem):
        wid = lax.axis_index("s") * SC_NC + lax.axis_index("c")
        base = wid * TOK_W
        pltpu.sync_copy(dest_hbm.at[wid], idx_v)
        pltpu.sync_copy(h2_hbm.at[pl.ds(base, TOK_W)], rows_v)
        pltpu.async_copy(rows_v, out_hbm.at[idx_v], sem).wait()

    return k(h2, dest32)


def _sc_gather(sorted_rows, dest32):
    @functools.partial(
        pl.kernel,
        out_type=jax.ShapeDtypeStruct((S, H), jnp.float32),
        mesh=_sc_mesh(),
        scratch_types=[pltpu.VMEM((TOK_W,), jnp.int32),
                       pltpu.VMEM((TOK_W, H), jnp.float32),
                       pltpu.SemaphoreType.DMA],
    )
    def k(src_hbm, dest_hbm, out_hbm, idx_v, rows_v, sem):
        wid = lax.axis_index("s") * SC_NC + lax.axis_index("c")
        base = wid * TOK_W
        pltpu.sync_copy(dest_hbm.at[wid], idx_v)
        pltpu.async_copy(src_hbm.at[idx_v], rows_v, sem).wait()
        pltpu.sync_copy(rows_v, out_hbm.at[pl.ds(base, TOK_W)])

    return k(sorted_rows, dest32)



def _stage_d_body(eot_ref, act_ref, hs_ref, gu_ref, dw_ref, o_ref):
    i = pl.program_id(0)

    @pl.when(act_ref[i] == 1)
    def _():
        h = hs_ref[...]
        gup = _dot_t(h, gu_ref[0])
        g = gup[:, :DFF]
        u = gup[:, DFF:]
        inter = _silu(g) * u
        o_ref[...] = _dot_t(inter, dw_ref[0])


def _stage_d(eot, act, sorted_rows, gu_w, d_w):
    grid_spec = pltpu.PrefetchScalarGridSpec(
        num_scalar_prefetch=2,
        grid=(NT,),
        in_specs=[
            pl.BlockSpec((TM, H), lambda i, eot, act: (i, 0)),
            pl.BlockSpec((1, 2 * DFF, H), lambda i, eot, act: (eot[i], 0, 0)),
            pl.BlockSpec((1, H, DFF), lambda i, eot, act: (eot[i], 0, 0)),
        ],
        out_specs=pl.BlockSpec((TM, H), lambda i, eot, act: (i, 0)),
    )
    return pl.pallas_call(
        _stage_d_body,
        grid_spec=grid_spec,
        out_shape=jax.ShapeDtypeStruct((TP, H), jnp.float32),
    )(eot, act, sorted_rows, gu_w, d_w)



def _stage_e_body(base_ref, topw_ref, g_ref, o_ref):
    o_ref[...] = base_ref[...] + topw_ref[...] * g_ref[...]


def _stage_e(base, topw, gathered):
    n = S // TSC
    return pl.pallas_call(
        _stage_e_body,
        grid=(n,),
        in_specs=[
            pl.BlockSpec((TSC, H), lambda i: (i, 0)),
            pl.BlockSpec((TSC, 1), lambda i: (i, 0)),
            pl.BlockSpec((TSC, H), lambda i: (i, 0)),
        ],
        out_specs=pl.BlockSpec((TSC, H), lambda i: (i, 0)),
        out_shape=jax.ShapeDtypeStruct((S, H), jnp.float32),
    )(base, topw, gathered)



def kernel(hidden_states, input_ln_w, qkv_w, q_ln_w, k_ln_w, o_w, post_ln_w,
           router_w, expert_gate_up_w, expert_down_w, shared_gate_w,
           shared_up_w, shared_down_w):
    B = hidden_states.shape[0]
    x = hidden_states.reshape(S, H)
    hidx = jnp.arange(H) // DH
    bd = (hidx[:, None] == hidx[None, :]).astype(jnp.float32)
    q_lnf = jnp.tile(q_ln_w, NH).reshape(1, H)
    k_lnf = jnp.tile(k_ln_w, NH).reshape(1, H)
    jcol = jnp.arange(H) % DH
    jjcol = jcol % HALF
    sel = (jnp.arange(HALF)[:, None] == jjcol[None, :]).astype(jnp.float32)
    tc = sel
    ts = sel * jnp.where(jcol < HALF, -1.0, 1.0)[None, :]
    q, k, v = _stage_a(x, input_ln_w.reshape(1, H), qkv_w, bd, q_lnf, k_lnf,
                       tc, ts)
    ctx = _stage_b(q, k, v)
    base, h2, topw, ti, rank, cnt = _stage_c(
        ctx, x, o_w, post_ln_w.reshape(1, H), router_w,
        shared_gate_w, shared_up_w, shared_down_w)
    dest, eot, act = _stage_f(ti, rank, cnt)
    dest32 = dest.reshape(SC_NW, TOK_W)
    sorted_rows = _sc_scatter(h2, dest32)
    moe_sorted = _stage_d(eot.reshape(NT), act.reshape(NT), sorted_rows,
                          expert_gate_up_w, expert_down_w)
    moe_g = _sc_gather(moe_sorted, dest32)
    out = _stage_e(base, topw, moe_g)
    return out.reshape(B, S, H)

# --- scband reference (transcript-rebuilt; emitter-appended) ---
"""Pipeline reference for scband-flash-hunyuan-decoder-layer-47356309405792 (READ-ONLY COPY).

The authoritative reference and input builder live on the scoring server;
editing this copy changes nothing except your own understanding.
"""

import jax, jax.numpy as jnp
import numpy as np

H = 768
NH = 12
DH = 64
E = 16
TOPK = 1
DFF = 256
EPS = 1e-06
THETA = 10000.0


def _rmsnorm(x, w, eps=EPS):
    var = jnp.mean(x.astype(jnp.float32) ** 2, axis=-1, keepdims=True)
    return (x * jax.lax.rsqrt(var + eps)) * w


def _rope(x):
    B, S, NHh, D = x.shape
    half = D // 2
    freqs = 1.0 / (THETA ** (jnp.arange(half, dtype=jnp.float32) / half))
    ang = jnp.arange(S, dtype=jnp.float32)[:, None] * freqs[None, :]
    cos = jnp.cos(ang)[None, :, None, :]
    sin = jnp.sin(ang)[None, :, None, :]
    x1 = x[..., :half]
    x2 = x[..., half:]
    return jnp.concatenate([x1 * cos - x2 * sin, x1 * sin + x2 * cos], axis=-1)


def setup_inputs(seed: int = 0) -> dict:
    key = jax.random.key(seed)
    ks = jax.random.split(key, 16)
    B, S = 1, 2048
    s = 0.02
    return {
        "hidden_states": jax.random.normal(ks[0], (B, S, H), dtype=jnp.float32),
        "input_ln_w": jnp.ones((H,), jnp.float32),
        "qkv_w": jax.random.normal(ks[1], (3 * H, H), dtype=jnp.float32) * s,
        "q_ln_w": jnp.ones((DH,), jnp.float32),
        "k_ln_w": jnp.ones((DH,), jnp.float32),
        "o_w": jax.random.normal(ks[2], (H, H), dtype=jnp.float32) * s,
        "post_ln_w": jnp.ones((H,), jnp.float32),
        "router_w": jax.random.normal(ks[3], (E, H), dtype=jnp.float32) * s,
        "expert_gate_up_w": jax.random.normal(ks[4], (E, 2 * DFF, H), dtype=jnp.float32) * s,
        "expert_down_w": jax.random.normal(ks[5], (E, H, DFF), dtype=jnp.float32) * s,
        "shared_gate_w": jax.random.normal(ks[6], (DFF, H), dtype=jnp.float32) * s,
        "shared_up_w": jax.random.normal(ks[7], (DFF, H), dtype=jnp.float32) * s,
        "shared_down_w": jax.random.normal(ks[8], (H, DFF), dtype=jnp.float32) * s,
    }


def reference(hidden_states, input_ln_w, qkv_w, q_ln_w, k_ln_w, o_w, post_ln_w, router_w, expert_gate_up_w, expert_down_w, shared_gate_w, shared_up_w, shared_down_w):
    B, S, _ = hidden_states.shape
    # --- self attention block ---
    h = _rmsnorm(hidden_states, input_ln_w)
    qkv = h @ qkv_w.T
    q, k, v = jnp.split(qkv, 3, axis=-1)
    q = q.reshape(B, S, NH, DH)
    k = k.reshape(B, S, NH, DH)
    v = v.reshape(B, S, NH, DH)
    # qk-norm (Hunyuan use_qk_norm)
    q = _rmsnorm(q, q_ln_w)
    k = _rmsnorm(k, k_ln_w)
    q = _rope(q)
    k = _rope(k)
    scores = jnp.einsum('bqhd,bkhd->bhqk', q, k) * (DH ** -0.5)
    mask = jnp.tril(jnp.ones((S, S), dtype=bool))
    scores = jnp.where(mask[None, None, :, :], scores, -1e9)
    attn = jax.nn.softmax(scores, axis=-1)
    ctx = jnp.einsum('bhqk,bkhd->bqhd', attn, v).reshape(B, S, H)
    attn_out = ctx @ o_w.T
    hidden = hidden_states + attn_out
    # --- MoE block ---
    h2 = _rmsnorm(hidden, post_ln_w).reshape(B * S, H)
    router_logits = h2 @ router_w.T
    probs = jax.nn.softmax(router_logits, axis=-1)
    topw, topi = jax.lax.top_k(probs, TOPK)
    combine = jnp.sum(jax.nn.one_hot(topi, E, dtype=h2.dtype) * topw[..., None], axis=1)  # [T, E]
    gu = jnp.einsum('td,efd->tef', h2, expert_gate_up_w)
    g = gu[..., :DFF]
    u = gu[..., DFF:]
    inter = jax.nn.silu(g) * u
    eo = jnp.einsum('tec,edc->ted', inter, expert_down_w)
    moe_out = jnp.einsum('ted,te->td', eo, combine)
    sg = jax.nn.silu(h2 @ shared_gate_w.T) * (h2 @ shared_up_w.T)
    shared_out = sg @ shared_down_w.T
    out = hidden + (moe_out + shared_out).reshape(B, S, H)
    return out

if __name__ == "__main__":
    import jax
    _d = setup_inputs()
    print(jax.jit(kernel)(*tuple(_d.values())))

</pallas_src>

<mosaic_0001>
#map = affine_map<(d0, d1) -> (0, 0)>
module attributes {stable_mosaic.version = 14 : i64} {
  func.func @k(%arg0: i32, %arg1: i32, %arg2: memref<4096x768xf32, #tpu.memory_space<hbm>>, %arg3: memref<32x64xi32, #tpu.memory_space<hbm>>, %arg4: memref<2048x768xf32, #tpu.memory_space<hbm>>, %arg5: memref<64xi32, #tpu.memory_space<vmem>>, %arg6: memref<64x768xf32, #tpu.memory_space<vmem>>, %arg7: memref<!tpu.dma_semaphore, #tpu.memory_space<semaphore_mem>>) attributes {dimension_semantics = [#tpu.dimension_semantics<core_parallel>, #tpu.dimension_semantics<subcore_parallel>], iteration_bounds = array<i64: 2, 16>, scalar_prefetch = 0 : i64, scratch_operands = 3 : i64, tpu.core_type = #tpu.core_type<sc_vector_subcore>, window_params = [{transform_indices = #map}, {transform_indices = #map}, {transform_indices = #map}]} {
    %mul3A = arith.constant 2 : i32
    %mul3A_0 = arith.muli %arg1, %mul3A : i32
    %add3A = arith.addi %mul3A_0, %arg0 : i32
    %mul3A_1 = arith.constant 64 : i32
    %mul3A_2 = arith.muli %add3A, %mul3A_1 : i32
    "tpu.region"() ({
      %run_scoped3A = tpu.sem_alloc : memref<!tpu.dma_semaphore, #tpu.memory_space<semaphore_mem>>
      %dma_start3A_7 = arith.constant 0 : i32
      %dma_start3A_8 = tpu.memref_slice %arg3[%add3A, %dma_start3A_7] : memref<32x64xi32, #tpu.memory_space<hbm>> -> memref<1x64xi32, #tpu.memory_space<hbm>>
      %dma_start3A_9 = tpu.memref_squeeze %dma_start3A_8 : memref<1x64xi32, #tpu.memory_space<hbm>> -> memref<64xi32, #tpu.memory_space<hbm>>
      %dma_start3A_10 = arith.constant 0 : i32
      %dma_start3A_11 = tpu.memref_slice %arg3[%add3A, %dma_start3A_10] : memref<32x64xi32, #tpu.memory_space<hbm>> -> memref<1x64xi32, #tpu.memory_space<hbm>>
      %dma_start3A_12 = tpu.memref_squeeze %dma_start3A_11 : memref<1x64xi32, #tpu.memory_space<hbm>> -> memref<64xi32, #tpu.memory_space<hbm>>
      tpu.enqueue_dma source(%dma_start3A_12 : memref<64xi32, #tpu.memory_space<hbm>>) target(%arg5 : memref<64xi32, #tpu.memory_space<vmem>>) target_semaphore(%run_scoped3A : memref<!tpu.dma_semaphore, #tpu.memory_space<semaphore_mem>>)
      %dma_wait3A_13 = arith.constant 0 : i32
      %dma_wait3A_14 = tpu.memref_slice %arg3[%add3A, %dma_wait3A_13] : memref<32x64xi32, #tpu.memory_space<hbm>> -> memref<1x64xi32, #tpu.memory_space<hbm>>
      %dma_wait3A_15 = tpu.memref_squeeze %dma_wait3A_14 : memref<1x64xi32, #tpu.memory_space<hbm>> -> memref<64xi32, #tpu.memory_space<hbm>>
      %dma_wait3A_16 = arith.constant 0 : i32
      %dma_wait3A_17 = tpu.memref_slice %arg3[%add3A, %dma_wait3A_16] : memref<32x64xi32, #tpu.memory_space<hbm>> -> memref<1x64xi32, #tpu.memory_space<hbm>>
      %dma_wait3A_18 = tpu.memref_squeeze %dma_wait3A_17 : memref<1x64xi32, #tpu.memory_space<hbm>> -> memref<64xi32, #tpu.memory_space<hbm>>
      tpu.wait_dma2 semaphore(%run_scoped3A : memref<!tpu.dma_semaphore, #tpu.memory_space<semaphore_mem>>) src(%dma_wait3A_18 : memref<64xi32, #tpu.memory_space<hbm>>) dst(%arg5 : memref<64xi32, #tpu.memory_space<vmem>>)
      tpu.yield
    }) : () -> ()
    %dma_start3A = arith.constant 0 : i32
    %dma_start3A_3 = arith.constant 0 : i32
    %dma_start3A_4 = tpu.memref_slice %arg2[%dma_start3A, %dma_start3A_3] : memref<4096x768xf32, #tpu.memory_space<hbm>> -> memref<4096x768xf32, #tpu.memory_space<hbm>>
    tpu.enqueue_indirect_dma source(%dma_start3A_4 : memref<4096x768xf32, #tpu.memory_space<hbm>>) target(%arg6 : memref<64x768xf32, #tpu.memory_space<vmem>>) offsets(%arg5 : memref<64xi32, #tpu.memory_space<vmem>>) semaphore(%arg7 : memref<!tpu.dma_semaphore, #tpu.memory_space<semaphore_mem>>)
    %dma_wait3A = arith.constant 0 : i32
    %dma_wait3A_5 = arith.constant 0 : i32
    %dma_wait3A_6 = tpu.memref_slice %arg2[%dma_wait3A, %dma_wait3A_5] : memref<4096x768xf32, #tpu.memory_space<hbm>> -> memref<4096x768xf32, #tpu.memory_space<hbm>>
    tpu.wait_indirect_dma semaphore(%arg7 : memref<!tpu.dma_semaphore, #tpu.memory_space<semaphore_mem>>) src(%dma_wait3A_6 : memref<4096x768xf32, #tpu.memory_space<hbm>>) dst(%arg6 : memref<64x768xf32, #tpu.memory_space<vmem>>)
    "tpu.region"() ({
      %run_scoped3A = tpu.sem_alloc : memref<!tpu.dma_semaphore, #tpu.memory_space<semaphore_mem>>
      %dma_start3A_7 = arith.constant 0 : i32
      %dma_start3A_8 = tpu.memref_slice %arg4[%mul3A_2, %dma_start3A_7] : memref<2048x768xf32, #tpu.memory_space<hbm>> -> memref<64x768xf32, #tpu.memory_space<hbm>>
      %dma_start3A_9 = arith.constant 0 : i32
      %dma_start3A_10 = tpu.memref_slice %arg4[%mul3A_2, %dma_start3A_9] : memref<2048x768xf32, #tpu.memory_space<hbm>> -> memref<64x768xf32, #tpu.memory_space<hbm>>
      tpu.enqueue_dma source(%arg6 : memref<64x768xf32, #tpu.memory_space<vmem>>) target(%dma_start3A_10 : memref<64x768xf32, #tpu.memory_space<hbm>>) target_semaphore(%run_scoped3A : memref<!tpu.dma_semaphore, #tpu.memory_space<semaphore_mem>>)
      %dma_wait3A_11 = arith.constant 0 : i32
      %dma_wait3A_12 = tpu.memref_slice %arg4[%mul3A_2, %dma_wait3A_11] : memref<2048x768xf32, #tpu.memory_space<hbm>> -> memref<64x768xf32, #tpu.memory_space<hbm>>
      %dma_wait3A_13 = arith.constant 0 : i32
      %dma_wait3A_14 = tpu.memref_slice %arg4[%mul3A_2, %dma_wait3A_13] : memref<2048x768xf32, #tpu.memory_space<hbm>> -> memref<64x768xf32, #tpu.memory_space<hbm>>
      tpu.wait_dma2 semaphore(%run_scoped3A : memref<!tpu.dma_semaphore, #tpu.memory_space<semaphore_mem>>) src(%arg6 : memref<64x768xf32, #tpu.memory_space<vmem>>) dst(%dma_wait3A_14 : memref<64x768xf32, #tpu.memory_space<hbm>>)
      tpu.yield
    }) : () -> ()
    return
  }
}

#map = affine_map<(d0, d1) -> (0, 0)>
module attributes {stable_mosaic.version = 14 : i64} {
  func.func @k(%arg0: i32, %arg1: i32, %arg2: memref<2048x768xf32, #tpu.memory_space<hbm>>, %arg3: memref<32x64xi32, #tpu.memory_space<hbm>>, %arg4: memref<4096x768xf32, #tpu.memory_space<hbm>>, %arg5: memref<64xi32, #tpu.memory_space<vmem>>, %arg6: memref<64x768xf32, #tpu.memory_space<vmem>>, %arg7: memref<!tpu.dma_semaphore, #tpu.memory_space<semaphore_mem>>) attributes {dimension_semantics = [#tpu.dimension_semantics<core_parallel>, #tpu.dimension_semantics<subcore_parallel>], iteration_bounds = array<i64: 2, 16>, scalar_prefetch = 0 : i64, scratch_operands = 3 : i64, tpu.core_type = #tpu.core_type<sc_vector_subcore>, window_params = [{transform_indices = #map}, {transform_indices = #map}, {transform_indices = #map}]} {
    %mul3A = arith.constant 2 : i32
    %mul3A_0 = arith.muli %arg1, %mul3A : i32
    %add3A = arith.addi %mul3A_0, %arg0 : i32
    %mul3A_1 = arith.constant 64 : i32
    %mul3A_2 = arith.muli %add3A, %mul3A_1 : i32
    "tpu.region"() ({
      %run_scoped3A = tpu.sem_alloc : memref<!tpu.dma_semaphore, #tpu.memory_space<semaphore_mem>>
      %dma_start3A_7 = arith.constant 0 : i32
      %dma_start3A_8 = tpu.memref_slice %arg3[%add3A, %dma_start3A_7] : memref<32x64xi32, #tpu.memory_space<hbm>> -> memref<1x64xi32, #tpu.memory_space<hbm>>
      %dma_start3A_9 = tpu.memref_squeeze %dma_start3A_8 : memref<1x64xi32, #tpu.memory_space<hbm>> -> memref<64xi32, #tpu.memory_space<hbm>>
      %dma_start3A_10 = arith.constant 0 : i32
      %dma_start3A_11 = tpu.memref_slice %arg3[%add3A, %dma_start3A_10] : memref<32x64xi32, #tpu.memory_space<hbm>> -> memref<1x64xi32, #tpu.memory_space<hbm>>
      %dma_start3A_12 = tpu.memref_squeeze %dma_start3A_11 : memref<1x64xi32, #tpu.memory_space<hbm>> -> memref<64xi32, #tpu.memory_space<hbm>>
      tpu.enqueue_dma source(%dma_start3A_12 : memref<64xi32, #tpu.memory_space<hbm>>) target(%arg5 : memref<64xi32, #tpu.memory_space<vmem>>) target_semaphore(%run_scoped3A : memref<!tpu.dma_semaphore, #tpu.memory_space<semaphore_mem>>)
      %dma_wait3A_13 = arith.constant 0 : i32
      %dma_wait3A_14 = tpu.memref_slice %arg3[%add3A, %dma_wait3A_13] : memref<32x64xi32, #tpu.memory_space<hbm>> -> memref<1x64xi32, #tpu.memory_space<hbm>>
      %dma_wait3A_15 = tpu.memref_squeeze %dma_wait3A_14 : memref<1x64xi32, #tpu.memory_space<hbm>> -> memref<64xi32, #tpu.memory_space<hbm>>
      %dma_wait3A_16 = arith.constant 0 : i32
      %dma_wait3A_17 = tpu.memref_slice %arg3[%add3A, %dma_wait3A_16] : memref<32x64xi32, #tpu.memory_space<hbm>> -> memref<1x64xi32, #tpu.memory_space<hbm>>
      %dma_wait3A_18 = tpu.memref_squeeze %dma_wait3A_17 : memref<1x64xi32, #tpu.memory_space<hbm>> -> memref<64xi32, #tpu.memory_space<hbm>>
      tpu.wait_dma2 semaphore(%run_scoped3A : memref<!tpu.dma_semaphore, #tpu.memory_space<semaphore_mem>>) src(%dma_wait3A_18 : memref<64xi32, #tpu.memory_space<hbm>>) dst(%arg5 : memref<64xi32, #tpu.memory_space<vmem>>)
      tpu.yield
    }) : () -> ()
    "tpu.region"() ({
      %run_scoped3A = tpu.sem_alloc : memref<!tpu.dma_semaphore, #tpu.memory_space<semaphore_mem>>
      %dma_start3A_7 = arith.constant 0 : i32
      %dma_start3A_8 = tpu.memref_slice %arg2[%mul3A_2, %dma_start3A_7] : memref<2048x768xf32, #tpu.memory_space<hbm>> -> memref<64x768xf32, #tpu.memory_space<hbm>>
      %dma_start3A_9 = arith.constant 0 : i32
      %dma_start3A_10 = tpu.memref_slice %arg2[%mul3A_2, %dma_start3A_9] : memref<2048x768xf32, #tpu.memory_space<hbm>> -> memref<64x768xf32, #tpu.memory_space<hbm>>
      tpu.enqueue_dma source(%dma_start3A_10 : memref<64x768xf32, #tpu.memory_space<hbm>>) target(%arg6 : memref<64x768xf32, #tpu.memory_space<vmem>>) target_semaphore(%run_scoped3A : memref<!tpu.dma_semaphore, #tpu.memory_space<semaphore_mem>>)
      %dma_wait3A_11 = arith.constant 0 : i32
      %dma_wait3A_12 = tpu.memref_slice %arg2[%mul3A_2, %dma_wait3A_11] : memref<2048x768xf32, #tpu.memory_space<hbm>> -> memref<64x768xf32, #tpu.memory_space<hbm>>
      %dma_wait3A_13 = arith.constant 0 : i32
      %dma_wait3A_14 = tpu.memref_slice %arg2[%mul3A_2, %dma_wait3A_13] : memref<2048x768xf32, #tpu.memory_space<hbm>> -> memref<64x768xf32, #tpu.memory_space<hbm>>
      tpu.wait_dma2 semaphore(%run_scoped3A : memref<!tpu.dma_semaphore, #tpu.memory_space<semaphore_mem>>) src(%dma_wait3A_14 : memref<64x768xf32, #tpu.memory_space<hbm>>) dst(%arg6 : memref<64x768xf32, #tpu.memory_space<vmem>>)
      tpu.yield
    }) : () -> ()
    %dma_start3A = arith.constant 0 : i32
    %dma_start3A_3 = arith.constant 0 : i32
    %dma_start3A_4 = tpu.memref_slice %arg4[%dma_start3A, %dma_start3A_3] : memref<4096x768xf32, #tpu.memory_space<hbm>> -> memref<4096x768xf32, #tpu.memory_space<hbm>>
    tpu.enqueue_indirect_dma source(%arg6 : memref<64x768xf32, #tpu.memory_space<vmem>>) target(%dma_start3A_4 : memref<4096x768xf32, #tpu.memory_space<hbm>>) offsets(%arg5 : memref<64xi32, #tpu.memory_space<vmem>>) semaphore(%arg7 : memref<!tpu.dma_semaphore, #tpu.memory_space<semaphore_mem>>)
    %dma_wait3A = arith.constant 0 : i32
    %dma_wait3A_5 = arith.constant 0 : i32
    %dma_wait3A_6 = tpu.memref_slice %arg4[%dma_wait3A, %dma_wait3A_5] : memref<4096x768xf32, #tpu.memory_space<hbm>> -> memref<4096x768xf32, #tpu.memory_space<hbm>>
    tpu.wait_indirect_dma semaphore(%arg7 : memref<!tpu.dma_semaphore, #tpu.memory_space<semaphore_mem>>) src(%arg6 : memref<64x768xf32, #tpu.memory_space<vmem>>) dst(%dma_wait3A_6 : memref<4096x768xf32, #tpu.memory_space<hbm>>)
    return
  }
}

module attributes {stable_mosaic.version = 14 : i64} {
  func.func @body(%arg0: i32, %arg1: memref<1024x128xf32, #tpu.memory_space<vmem>>, %arg2: memref<2048x128xf32, #tpu.memory_space<vmem>>, %arg3: memref<2048x128xf32, #tpu.memory_space<vmem>>, %arg4: memref<1024x128xf32, #tpu.memory_space<vmem>>) attributes {dimension_semantics = [#tpu.dimension_semantics<arbitrary>], iteration_bounds = array<i64: 6>, scalar_prefetch = 0 : i64, scratch_operands = 0 : i64, tpu.core_type = #tpu.core_type<tc>, window_params = [{transform_indices = @transform_0, window_bounds = array<i64: 1024, 128>}, {transform_indices = @transform_1, window_bounds = array<i64: 2048, 128>}, {transform_indices = @transform_2, window_bounds = array<i64: 2048, 128>}, {transform_indices = @transform_3, window_bounds = array<i64: 1024, 128>}]} {
    %get3A = arith.constant 0 : index
    %get3A_0 = arith.constant 0 : index
    %get3A_1 = vector.load %arg1[%get3A, %get3A_0] : memref<1024x128xf32, #tpu.memory_space<vmem>>, vector<1024x128xf32>
    %get3A_2 = arith.constant 0 : index
    %get3A_3 = arith.constant 0 : index
    %get3A_4 = vector.load %arg2[%get3A_2, %get3A_3] : memref<2048x128xf32, #tpu.memory_space<vmem>>, vector<2048x128xf32>
    %get3A_5 = arith.constant 0 : index
    %get3A_6 = arith.constant 0 : index
    %get3A_7 = vector.load %arg3[%get3A_5, %get3A_6] : memref<2048x128xf32, #tpu.memory_space<vmem>>, vector<2048x128xf32>
    %iota3A = tpu.iota {dimensions = array<i32: 0>} : vector<1024x1xi32>
    %iota3A_8 = tpu.iota {dimensions = array<i32: 1>} : vector<1x1024xi32>
    %le3A = vector.broadcast %iota3A_8 : vector<1x1024xi32> to vector<1024x1024xi32>
    %le3A_9 = vector.broadcast %iota3A : vector<1024x1xi32> to vector<1024x1024xi32>
    %le3A_10 = arith.cmpi sle, %le3A, %le3A_9 : vector<1024x1024xi32>
    %slice3A = vector.extract_strided_slice %get3A_1 {offsets = [0, 0], sizes = [1024, 64], strides = [1, 1]} : vector<1024x128xf32> to vector<1024x64xf32>
    %slice3A_11 = vector.extract_strided_slice %get3A_4 {offsets = [0, 0], sizes = [2048, 64], strides = [1, 1]} : vector<2048x128xf32> to vector<2048x64xf32>
    %slice3A_12 = vector.extract_strided_slice %get3A_7 {offsets = [0, 0], sizes = [2048, 64], strides = [1, 1]} : vector<2048x128xf32> to vector<2048x64xf32>
    %slice3A_13 = vector.extract_strided_slice %slice3A_11 {offsets = [1024, 0], sizes = [1024, 64], strides = [1, 1]} : vector<2048x64xf32> to vector<1024x64xf32>
    %dot_general3A = arith.constant dense<0.000000e+00> : vector<1024x1024xf32>
    %dot_general3A_14 = tpu.matmul %slice3A, %slice3A_13, %dot_general3A {dimension_numbers = #tpu.dot_dimension_numbers<[1], [1], [0], [0], [0, 0, 1, 0], [], []>, transpose_lhs_hint = false} : vector<1024x64xf32>, vector<1024x64xf32>, vector<1024x1024xf32> -> vector<1024x1024xf32>
    %mul3A = arith.constant 1.250000e-01 : f32
    %mul3A_15 = vector.broadcast %mul3A : f32 to vector<1024x1024xf32>
    %mul3A_16 = arith.mulf %dot_general3A_14, %mul3A_15 : vector<1024x1024xf32>
    %exp3A = math.exp %mul3A_16 : vector<1024x1024xf32>
    %jit3A = arith.constant 0.000000e+00 : f32
    %broadcast_in_dim3A = vector.broadcast %jit3A : f32 to vector<1024x1024xf32>
    %select_n3A = arith.select %le3A_10, %exp3A, %broadcast_in_dim3A : vector<1024x1024xi1>, vector<1024x1024xf32>
    %reduce_sum3A = arith.constant dense<0.000000e+00> : vector<1024xf32>
    %reduce_sum3A_17 = vector.multi_reduction <add>, %select_n3A, %reduce_sum3A [1] : vector<1024x1024xf32> to vector<1024xf32>
    %broadcast_in_dim3A_18 = vector.shape_cast %reduce_sum3A_17 : vector<1024xf32> to vector<1024x1xf32>
    %slice3A_19 = vector.extract_strided_slice %slice3A_12 {offsets = [1024, 0], sizes = [1024, 64], strides = [1, 1]} : vector<2048x64xf32> to vector<1024x64xf32>
    %dot_general3A_20 = arith.constant dense<0.000000e+00> : vector<1024x64xf32>
    %dot_general3A_21 = tpu.matmul %select_n3A, %slice3A_19, %dot_general3A_20 {dimension_numbers = #tpu.dot_dimension_numbers<[1], [0], [0], [1], [0, 0, 1, 1], [], []>, transpose_lhs_hint = false} : vector<1024x1024xf32>, vector<1024x64xf32>, vector<1024x64xf32> -> vector<1024x64xf32>
    %slice3A_22 = vector.extract_strided_slice %slice3A_11 {offsets = [0, 0], sizes = [1024, 64], strides = [1, 1]} : vector<2048x64xf32> to vector<1024x64xf32>
    %dot_general3A_23 = arith.constant dense<0.000000e+00> : vector<1024x1024xf32>
    %dot_general3A_24 = tpu.matmul %slice3A, %slice3A_22, %dot_general3A_23 {dimension_numbers = #tpu.dot_dimension_numbers<[1], [1], [0], [0], [0, 0, 1, 0], [], []>, transpose_lhs_hint = false} : vector<1024x64xf32>, vector<1024x64xf32>, vector<1024x1024xf32> -> vector<1024x1024xf32>
    %mul3A_25 = arith.constant 1.250000e-01 : f32
    %mul3A_26 = vector.broadcast %mul3A_25 : f32 to vector<1024x1024xf32>
    %mul3A_27 = arith.mulf %dot_general3A_24, %mul3A_26 : vector<1024x1024xf32>
    %exp3A_28 = math.exp %mul3A_27 : vector<1024x1024xf32>
    %reduce_sum3A_29 = arith.constant dense<0.000000e+00> : vector<1024xf32>
    %reduce_sum3A_30 = vector.multi_reduction <add>, %exp3A_28, %reduce_sum3A_29 [1] : vector<1024x1024xf32> to vector<1024xf32>
    %broadcast_in_dim3A_31 = vector.shape_cast %reduce_sum3A_30 : vector<1024xf32> to vector<1024x1xf32>
    %add3A = arith.addf %broadcast_in_dim3A_18, %broadcast_in_dim3A_31 : vector<1024x1xf32>
    %slice3A_32 = vector.extract_strided_slice %slice3A_12 {offsets = [0, 0], sizes = [1024, 64], strides = [1, 1]} : vector<2048x64xf32> to vector<1024x64xf32>
    %dot_general3A_33 = arith.constant dense<0.000000e+00> : vector<1024x64xf32>
    %dot_general3A_34 = tpu.matmul %exp3A_28, %slice3A_32, %dot_general3A_33 {dimension_numbers = #tpu.dot_dimension_numbers<[1], [0], [0], [1], [0, 0, 1, 1], [], []>, transpose_lhs_hint = false} : vector<1024x1024xf32>, vector<1024x64xf32>, vector<1024x64xf32> -> vector<1024x64xf32>
    %add3A_35 = arith.addf %dot_general3A_21, %dot_general3A_34 : vector<1024x64xf32>
    %div3A = arith.constant 1.000000e+00 : f32
    %div3A_36 = vector.broadcast %div3A : f32 to vector<1024x1xf32>
    %div3A_37 = arith.divf %div3A_36, %add3A : vector<1024x1xf32>
    %mul3A_38 = vector.broadcast %div3A_37 : vector<1024x1xf32> to vector<1024x64xf32>
    %mul3A_39 = arith.mulf %add3A_35, %mul3A_38 : vector<1024x64xf32>
    %slice3A_40 = vector.extract_strided_slice %get3A_1 {offsets = [0, 64], sizes = [1024, 64], strides = [1, 1]} : vector<1024x128xf32> to vector<1024x64xf32>
    %slice3A_41 = vector.extract_strided_slice %get3A_4 {offsets = [0, 64], sizes = [2048, 64], strides = [1, 1]} : vector<2048x128xf32> to vector<2048x64xf32>
    %slice3A_42 = vector.extract_strided_slice %get3A_7 {offsets = [0, 64], sizes = [2048, 64], strides = [1, 1]} : vector<2048x128xf32> to vector<2048x64xf32>
    %slice3A_43 = vector.extract_strided_slice %slice3A_41 {offsets = [1024, 0], sizes = [1024, 64], strides = [1, 1]} : vector<2048x64xf32> to vector<1024x64xf32>
    %dot_general3A_44 = arith.constant dense<0.000000e+00> : vector<1024x1024xf32>
    %dot_general3A_45 = tpu.matmul %slice3A_40, %slice3A_43, %dot_general3A_44 {dimension_numbers = #tpu.dot_dimension_numbers<[1], [1], [0], [0], [0, 0, 1, 0], [], []>, transpose_lhs_hint = false} : vector<1024x64xf32>, vector<1024x64xf32>, vector<1024x1024xf32> -> vector<1024x1024xf32>
    %mul3A_46 = arith.constant 1.250000e-01 : f32
    %mul3A_47 = vector.broadcast %mul3A_46 : f32 to vector<1024x1024xf32>
    %mul3A_48 = arith.mulf %dot_general3A_45, %mul3A_47 : vector<1024x1024xf32>
    %exp3A_49 = math.exp %mul3A_48 : vector<1024x1024xf32>
    %jit3A_50 = arith.constant 0.000000e+00 : f32
    %broadcast_in_dim3A_51 = vector.broadcast %jit3A_50 : f32 to vector<1024x1024xf32>
    %select_n3A_52 = arith.select %le3A_10, %exp3A_49, %broadcast_in_dim3A_51 : vector<1024x1024xi1>, vector<1024x1024xf32>
    %reduce_sum3A_53 = arith.constant dense<0.000000e+00> : vector<1024xf32>
    %reduce_sum3A_54 = vector.multi_reduction <add>, %select_n3A_52, %reduce_sum3A_53 [1] : vector<1024x1024xf32> to vector<1024xf32>
    %broadcast_in_dim3A_55 = vector.shape_cast %reduce_sum3A_54 : vector<1024xf32> to vector<1024x1xf32>
    %slice3A_56 = vector.extract_strided_slice %slice3A_42 {offsets = [1024, 0], sizes = [1024, 64], strides = [1, 1]} : vector<2048x64xf32> to vector<1024x64xf32>
    %dot_general3A_57 = arith.constant dense<0.000000e+00> : vector<1024x64xf32>
    %dot_general3A_58 = tpu.matmul %select_n3A_52, %slice3A_56, %dot_general3A_57 {dimension_numbers = #tpu.dot_dimension_numbers<[1], [0], [0], [1], [0, 0, 1, 1], [], []>, transpose_lhs_hint = false} : vector<1024x1024xf32>, vector<1024x64xf32>, vector<1024x64xf32> -> vector<1024x64xf32>
    %slice3A_59 = vector.extract_strided_slice %slice3A_41 {offsets = [0, 0], sizes = [1024, 64], strides = [1, 1]} : vector<2048x64xf32> to vector<1024x64xf32>
    %dot_general3A_60 = arith.constant dense<0.000000e+00> : vector<1024x1024xf32>
    %dot_general3A_61 = tpu.matmul %slice3A_40, %slice3A_59, %dot_general3A_60 {dimension_numbers = #tpu.dot_dimension_numbers<[1], [1], [0], [0], [0, 0, 1, 0], [], []>, transpose_lhs_hint = false} : vector<1024x64xf32>, vector<1024x64xf32>, vector<1024x1024xf32> -> vector<1024x1024xf32>
    %mul3A_62 = arith.constant 1.250000e-01 : f32
    %mul3A_63 = vector.broadcast %mul3A_62 : f32 to vector<1024x1024xf32>
    %mul3A_64 = arith.mulf %dot_general3A_61, %mul3A_63 : vector<1024x1024xf32>
    %exp3A_65 = math.exp %mul3A_64 : vector<1024x1024xf32>
    %reduce_sum3A_66 = arith.constant dense<0.000000e+00> : vector<1024xf32>
    %reduce_sum3A_67 = vector.multi_reduction <add>, %exp3A_65, %reduce_sum3A_66 [1] : vector<1024x1024xf32> to vector<1024xf32>
    %broadcast_in_dim3A_68 = vector.shape_cast %reduce_sum3A_67 : vector<1024xf32> to vector<1024x1xf32>
    %add3A_69 = arith.addf %broadcast_in_dim3A_55, %broadcast_in_dim3A_68 : vector<1024x1xf32>
    %slice3A_70 = vector.extract_strided_slice %slice3A_42 {offsets = [0, 0], sizes = [1024, 64], strides = [1, 1]} : vector<2048x64xf32> to vector<1024x64xf32>
    %dot_general3A_71 = arith.constant dense<0.000000e+00> : vector<1024x64xf32>
    %dot_general3A_72 = tpu.matmul %exp3A_65, %slice3A_70, %dot_general3A_71 {dimension_numbers = #tpu.dot_dimension_numbers<[1], [0], [0], [1], [0, 0, 1, 1], [], []>, transpose_lhs_hint = false} : vector<1024x1024xf32>, vector<1024x64xf32>, vector<1024x64xf32> -> vector<1024x64xf32>
    %add3A_73 = arith.addf %dot_general3A_58, %dot_general3A_72 : vector<1024x64xf32>
    %div3A_74 = arith.constant 1.000000e+00 : f32
    %div3A_75 = vector.broadcast %div3A_74 : f32 to vector<1024x1xf32>
    %div3A_76 = arith.divf %div3A_75, %add3A_69 : vector<1024x1xf32>
    %mul3A_77 = vector.broadcast %div3A_76 : vector<1024x1xf32> to vector<1024x64xf32>
    %mul3A_78 = arith.mulf %add3A_73, %mul3A_77 : vector<1024x64xf32>
    %concatenate3A = tpu.concatenate %mul3A_39, %mul3A_78 in 1 : vector<1024x64xf32>, vector<1024x64xf32> -> vector<1024x128xf32>
    %swap3A = arith.constant 0 : index
    %swap3A_79 = arith.constant 0 : index
    %swap3A_80 = vector.load %arg4[%swap3A, %swap3A_79] : memref<1024x128xf32, #tpu.memory_space<vmem>>, vector<1024x128xf32>
    tpu.vector_store %arg4[%swap3A, %swap3A_79], %concatenate3A {strides = array<i32>} : memref<1024x128xf32, #tpu.memory_space<vmem>>, vector<1024x128xf32>,
    return
  }
  func.func @transform_0(%arg0: i32) -> (i32, i32) {
    %c1_i32 = arith.constant 1 : i32
    %c0_i32 = arith.constant 0 : i32
    return %c1_i32, %arg0 : i32, i32
  }
  func.func @transform_1(%arg0: i32) -> (i32, i32) {
    %c0_i32 = arith.constant 0 : i32
    %c0_i32_0 = arith.constant 0 : i32
    return %c0_i32, %arg0 : i32, i32
  }
  func.func @transform_2(%arg0: i32) -> (i32, i32) {
    %c0_i32 = arith.constant 0 : i32
    %c0_i32_0 = arith.constant 0 : i32
    return %c0_i32, %arg0 : i32, i32
  }
  func.func @transform_3(%arg0: i32) -> (i32, i32) {
    %c0_i32 = arith.constant 0 : i32
    %c0_i32_0 = arith.constant 0 : i32
    return %c0_i32, %arg0 : i32, i32
  }
}

module attributes {stable_mosaic.version = 14 : i64} {
  func.func @_stage_a_body(%arg0: i32, %arg1: memref<256x768xf32, #tpu.memory_space<vmem>>, %arg2: memref<1x768xf32, #tpu.memory_space<vmem>>, %arg3: memref<2304x768xf32, #tpu.memory_space<vmem>>, %arg4: memref<768x768xf32, #tpu.memory_space<vmem>>, %arg5: memref<1x768xf32, #tpu.memory_space<vmem>>, %arg6: memref<1x768xf32, #tpu.memory_space<vmem>>, %arg7: memref<32x768xf32, #tpu.memory_space<vmem>>, %arg8: memref<32x768xf32, #tpu.memory_space<vmem>>, %arg9: memref<256x768xf32, #tpu.memory_space<vmem>>, %arg10: memref<256x768xf32, #tpu.memory_space<vmem>>, %arg11: memref<256x768xf32, #tpu.memory_space<vmem>>) attributes {dimension_semantics = [#tpu.dimension_semantics<arbitrary>], iteration_bounds = array<i64: 8>, scalar_prefetch = 0 : i64, scratch_operands = 0 : i64, tpu.core_type = #tpu.core_type<tc>, window_params = [{transform_indices = @transform_0, window_bounds = array<i64: 256, 768>}, {pipeline_mode = #tpu.pipeline_mode<synchronous>, transform_indices = @transform_1, window_bounds = array<i64: 1, 768>}, {pipeline_mode = #tpu.pipeline_mode<synchronous>, transform_indices = @transform_2, window_bounds = array<i64: 2304, 768>}, {pipeline_mode = #tpu.pipeline_mode<synchronous>, transform_indices = @transform_3, window_bounds = array<i64: 768, 768>}, {pipeline_mode = #tpu.pipeline_mode<synchronous>, transform_indices = @transform_4, window_bounds = array<i64: 1, 768>}, {pipeline_mode = #tpu.pipeline_mode<synchronous>, transform_indices = @transform_5, window_bounds = array<i64: 1, 768>}, {pipeline_mode = #tpu.pipeline_mode<synchronous>, transform_indices = @transform_6, window_bounds = array<i64: 32, 768>}, {pipeline_mode = #tpu.pipeline_mode<synchronous>, transform_indices = @transform_7, window_bounds = array<i64: 32, 768>}, {transform_indices = @transform_8, window_bounds = array<i64: 256, 768>}, {transform_indices = @transform_9, window_bounds = array<i64: 256, 768>}, {transform_indices = @transform_10, window_bounds = array<i64: 256, 768>}]} {
    %get3A = arith.constant 0 : index
    %get3A_0 = arith.constant 0 : index
    %get3A_1 = vector.load %arg1[%get3A, %get3A_0] : memref<256x768xf32, #tpu.memory_space<vmem>>, vector<256x768xf32>
    %mul3A = arith.mulf %get3A_1, %get3A_1 : vector<256x768xf32>
    %reduce_sum3A = arith.constant dense<0.000000e+00> : vector<256xf32>
    %reduce_sum3A_2 = vector.multi_reduction <add>, %mul3A, %reduce_sum3A [1] : vector<256x768xf32> to vector<256xf32>
    %broadcast_in_dim3A = vector.shape_cast %reduce_sum3A_2 : vector<256xf32> to vector<256x1xf32>
    %div3A = arith.constant 7.680000e+02 : f32
    %div3A_3 = vector.broadcast %div3A : f32 to vector<256x1xf32>
    %div3A_4 = arith.divf %broadcast_in_dim3A, %div3A_3 : vector<256x1xf32>
    %add3A = arith.constant 9.99999997E-7 : f32
    %add3A_5 = vector.broadcast %add3A : f32 to vector<256x1xf32>
    %add3A_6 = arith.addf %div3A_4, %add3A_5 : vector<256x1xf32>
    %rsqrt3A = math.rsqrt %add3A_6 : vector<256x1xf32>
    %mul3A_7 = vector.broadcast %rsqrt3A : vector<256x1xf32> to vector<256x768xf32>
    %mul3A_8 = arith.mulf %get3A_1, %mul3A_7 : vector<256x768xf32>
    %get3A_9 = arith.constant 0 : index
    %get3A_10 = arith.constant 0 : index
    %get3A_11 = vector.load %arg2[%get3A_9, %get3A_10] : memref<1x768xf32, #tpu.memory_space<vmem>>, vector<1x768xf32>
    %mul3A_12 = vector.broadcast %get3A_11 : vector<1x768xf32> to vector<256x768xf32>
    %mul3A_13 = arith.mulf %mul3A_8, %mul3A_12 : vector<256x768xf32>
    %get3A_14 = arith.constant 0 : index
    %get3A_15 = arith.constant 0 : index
    %get3A_16 = vector.load %arg3[%get3A_14, %get3A_15] : memref<2304x768xf32, #tpu.memory_space<vmem>>, vector<2304x768xf32>
    %dot_general3A = arith.constant dense<0.000000e+00> : vector<256x2304xf32>
    %dot_general3A_17 = tpu.matmul %mul3A_13, %get3A_16, %dot_general3A {dimension_numbers = #tpu.dot_dimension_numbers<[1], [1], [0], [0], [0, 0, 1, 0], [], []>, transpose_lhs_hint = false} : vector<256x768xf32>, vector<2304x768xf32>, vector<256x2304xf32> -> vector<256x2304xf32>
    %mul3A_18 = arith.constant 256 : i32
    %mul3A_19 = arith.muli %arg0, %mul3A_18 : i32
    %iota3A = tpu.iota {dimensions = array<i32: 0>} : vector<256x1xi32>
    %add3A_20 = vector.broadcast %mul3A_19 : i32 to vector<256x1xi32>
    %add3A_21 = arith.addi %add3A_20, %iota3A : vector<256x1xi32>
    %convert_element_type3A = arith.sitofp %add3A_21 : vector<256x1xi32> to vector<256x1xf32>
    %iota3A_22 = tpu.iota {dimensions = array<i32: 1>} : vector<1x32xi32>
    %convert_element_type3A_23 = arith.sitofp %iota3A_22 : vector<1x32xi32> to vector<1x32xf32>
    %mul3A_24 = arith.constant -0.287823141 : f32
    %mul3A_25 = vector.broadcast %mul3A_24 : f32 to vector<1x32xf32>
    %mul3A_26 = arith.mulf %convert_element_type3A_23, %mul3A_25 : vector<1x32xf32>
    %exp3A = math.exp %mul3A_26 : vector<1x32xf32>
    %mul3A_27 = vector.broadcast %convert_element_type3A : vector<256x1xf32> to vector<256x32xf32>
    %mul3A_28 = vector.broadcast %exp3A : vector<1x32xf32> to vector<256x32xf32>
    %mul3A_29 = arith.mulf %mul3A_27, %mul3A_28 : vector<256x32xf32>
    %cos3A = math.cos %mul3A_29 : vector<256x32xf32>
    %get3A_30 = arith.constant 0 : index
    %get3A_31 = arith.constant 0 : index
    %get3A_32 = vector.load %arg7[%get3A_30, %get3A_31] : memref<32x768xf32, #tpu.memory_space<vmem>>, vector<32x768xf32>
    %dot_general3A_33 = arith.constant dense<0.000000e+00> : vector<256x768xf32>
    %dot_general3A_34 = tpu.matmul %cos3A, %get3A_32, %dot_general3A_33 {dimension_numbers = #tpu.dot_dimension_numbers<[1], [0], [0], [1], [0, 0, 1, 1], [], []>, transpose_lhs_hint = false} : vector<256x32xf32>, vector<32x768xf32>, vector<256x768xf32> -> vector<256x768xf32>
    %sin3A = math.sin %mul3A_29 : vector<256x32xf32>
    %get3A_35 = arith.constant 0 : index
    %get3A_36 = arith.constant 0 : index
    %get3A_37 = vector.load %arg8[%get3A_35, %get3A_36] : memref<32x768xf32, #tpu.memory_space<vmem>>, vector<32x768xf32>
    %dot_general3A_38 = arith.constant dense<0.000000e+00> : vector<256x768xf32>
    %dot_general3A_39 = tpu.matmul %sin3A, %get3A_37, %dot_general3A_38 {dimension_numbers = #tpu.dot_dimension_numbers<[1], [0], [0], [1], [0, 0, 1, 1], [], []>, transpose_lhs_hint = false} : vector<256x32xf32>, vector<32x768xf32>, vector<256x768xf32> -> vector<256x768xf32>
    %iota3A_40 = tpu.iota {dimensions = array<i32: 1>} : vector<1x768xi32>
    %rem3A = arith.constant 64 : i32
    %rem3A_41 = vector.broadcast %rem3A : i32 to vector<1x768xi32>
    %rem3A_42 = arith.remsi %iota3A_40, %rem3A_41 : vector<1x768xi32>
    %lt3A = arith.constant 32 : i32
    %lt3A_43 = vector.broadcast %lt3A : i32 to vector<1x768xi32>
    %lt3A_44 = arith.cmpi slt, %rem3A_42, %lt3A_43 : vector<1x768xi32>
    %slice3A = vector.extract_strided_slice %dot_general3A_17 {offsets = [0, 0], sizes = [256, 768], strides = [1, 1]} : vector<256x2304xf32> to vector<256x768xf32>
    %get3A_45 = arith.constant 0 : index
    %get3A_46 = arith.constant 0 : index
    %get3A_47 = vector.load %arg5[%get3A_45, %get3A_46] : memref<1x768xf32, #tpu.memory_space<vmem>>, vector<1x768xf32>
    %mul3A_48 = arith.mulf %slice3A, %slice3A : vector<256x768xf32>
    %get3A_49 = arith.constant 0 : index
    %get3A_50 = arith.constant 0 : index
    %get3A_51 = vector.load %arg4[%get3A_49, %get3A_50] : memref<768x768xf32, #tpu.memory_space<vmem>>, vector<768x768xf32>
    %dot_general3A_52 = arith.constant dense<0.000000e+00> : vector<256x768xf32>
    %dot_general3A_53 = tpu.matmul %mul3A_48, %get3A_51, %dot_general3A_52 {dimension_numbers = #tpu.dot_dimension_numbers<[1], [0], [0], [1], [0, 0, 1, 1], [], []>, transpose_lhs_hint = false} : vector<256x768xf32>, vector<768x768xf32>, vector<256x768xf32> -> vector<256x768xf32>
    %mul3A_54 = arith.constant 1.562500e-02 : f32
    %mul3A_55 = vector.broadcast %mul3A_54 : f32 to vector<256x768xf32>
    %mul3A_56 = arith.mulf %dot_general3A_53, %mul3A_55 : vector<256x768xf32>
    %add3A_57 = arith.constant 9.99999997E-7 : f32
    %add3A_58 = vector.broadcast %add3A_57 : f32 to vector<256x768xf32>
    %add3A_59 = arith.addf %mul3A_56, %add3A_58 : vector<256x768xf32>
    %rsqrt3A_60 = math.rsqrt %add3A_59 : vector<256x768xf32>
    %mul3A_61 = arith.mulf %slice3A, %rsqrt3A_60 : vector<256x768xf32>
    %mul3A_62 = vector.broadcast %get3A_47 : vector<1x768xf32> to vector<256x768xf32>
    %mul3A_63 = arith.mulf %mul3A_61, %mul3A_62 : vector<256x768xf32>
    %slice3A_64 = vector.extract_strided_slice %mul3A_63 {offsets = [0, 32], sizes = [256, 736], strides = [1, 1]} : vector<256x768xf32> to vector<256x736xf32>
    %slice3A_65 = vector.extract_strided_slice %mul3A_63 {offsets = [0, 0], sizes = [256, 32], strides = [1, 1]} : vector<256x768xf32> to vector<256x32xf32>
    %concatenate3A = tpu.concatenate %slice3A_64, %slice3A_65 in 1 : vector<256x736xf32>, vector<256x32xf32> -> vector<256x768xf32>
    %slice3A_66 = vector.extract_strided_slice %mul3A_63 {offsets = [0, 736], sizes = [256, 32], strides = [1, 1]} : vector<256x768xf32> to vector<256x32xf32>
    %slice3A_67 = vector.extract_strided_slice %mul3A_63 {offsets = [0, 0], sizes = [256, 736], strides = [1, 1]} : vector<256x768xf32> to vector<256x736xf32>
    %concatenate3A_68 = tpu.concatenate %slice3A_66, %slice3A_67 in 1 : vector<256x32xf32>, vector<256x736xf32> -> vector<256x768xf32>
    %broadcast_in_dim3A_69 = vector.shape_cast %lt3A_44 : vector<1x768xi1> to vector<1x768xi1>
    %broadcast_in_dim3A_70 = vector.broadcast %broadcast_in_dim3A_69 : vector<1x768xi1> to vector<256x768xi1>
    %select_n3A = arith.select %broadcast_in_dim3A_70, %concatenate3A, %concatenate3A_68 : vector<256x768xi1>, vector<256x768xf32>
    %mul3A_71 = arith.mulf %mul3A_63, %dot_general3A_34 : vector<256x768xf32>
    %mul3A_72 = arith.mulf %select_n3A, %dot_general3A_39 : vector<256x768xf32>
    %add3A_73 = arith.addf %mul3A_71, %mul3A_72 : vector<256x768xf32>
    %swap3A = arith.constant 0 : index
    %swap3A_74 = arith.constant 0 : index
    %swap3A_75 = vector.load %arg9[%swap3A, %swap3A_74] : memref<256x768xf32, #tpu.memory_space<vmem>>, vector<256x768xf32>
    tpu.vector_store %arg9[%swap3A, %swap3A_74], %add3A_73 {strides = array<i32>} : memref<256x768xf32, #tpu.memory_space<vmem>>, vector<256x768xf32>,
    %slice3A_76 = vector.extract_strided_slice %dot_general3A_17 {offsets = [0, 768], sizes = [256, 768], strides = [1, 1]} : vector<256x2304xf32> to vector<256x768xf32>
    %get3A_77 = arith.constant 0 : index
    %get3A_78 = arith.constant 0 : index
    %get3A_79 = vector.load %arg6[%get3A_77, %get3A_78] : memref<1x768xf32, #tpu.memory_space<vmem>>, vector<1x768xf32>
    %mul3A_80 = arith.mulf %slice3A_76, %slice3A_76 : vector<256x768xf32>
    %get3A_81 = arith.constant 0 : index
    %get3A_82 = arith.constant 0 : index
    %get3A_83 = vector.load %arg4[%get3A_81, %get3A_82] : memref<768x768xf32, #tpu.memory_space<vmem>>, vector<768x768xf32>
    %dot_general3A_84 = arith.constant dense<0.000000e+00> : vector<256x768xf32>
    %dot_general3A_85 = tpu.matmul %mul3A_80, %get3A_83, %dot_general3A_84 {dimension_numbers = #tpu.dot_dimension_numbers<[1], [0], [0], [1], [0, 0, 1, 1], [], []>, transpose_lhs_hint = false} : vector<256x768xf32>, vector<768x768xf32>, vector<256x768xf32> -> vector<256x768xf32>
    %mul3A_86 = arith.constant 1.562500e-02 : f32
    %mul3A_87 = vector.broadcast %mul3A_86 : f32 to vector<256x768xf32>
    %mul3A_88 = arith.mulf %dot_general3A_85, %mul3A_87 : vector<256x768xf32>
    %add3A_89 = arith.constant 9.99999997E-7 : f32
    %add3A_90 = vector.broadcast %add3A_89 : f32 to vector<256x768xf32>
    %add3A_91 = arith.addf %mul3A_88, %add3A_90 : vector<256x768xf32>
    %rsqrt3A_92 = math.rsqrt %add3A_91 : vector<256x768xf32>
    %mul3A_93 = arith.mulf %slice3A_76, %rsqrt3A_92 : vector<256x768xf32>
    %mul3A_94 = vector.broadcast %get3A_79 : vector<1x768xf32> to vector<256x768xf32>
    %mul3A_95 = arith.mulf %mul3A_93, %mul3A_94 : vector<256x768xf32>
    %slice3A_96 = vector.extract_strided_slice %mul3A_95 {offsets = [0, 32], sizes = [256, 736], strides = [1, 1]} : vector<256x768xf32> to vector<256x736xf32>
    %slice3A_97 = vector.extract_strided_slice %mul3A_95 {offsets = [0, 0], sizes = [256, 32], strides = [1, 1]} : vector<256x768xf32> to vector<256x32xf32>
    %concatenate3A_98 = tpu.concatenate %slice3A_96, %slice3A_97 in 1 : vector<256x736xf32>, vector<256x32xf32> -> vector<256x768xf32>
    %slice3A_99 = vector.extract_strided_slice %mul3A_95 {offsets = [0, 736], sizes = [256, 32], strides = [1, 1]} : vector<256x768xf32> to vector<256x32xf32>
    %slice3A_100 = vector.extract_strided_slice %mul3A_95 {offsets = [0, 0], sizes = [256, 736], strides = [1, 1]} : vector<256x768xf32> to vector<256x736xf32>
    %concatenate3A_101 = tpu.concatenate %slice3A_99, %slice3A_100 in 1 : vector<256x32xf32>, vector<256x736xf32> -> vector<256x768xf32>
    %broadcast_in_dim3A_102 = vector.shape_cast %lt3A_44 : vector<1x768xi1> to vector<1x768xi1>
    %broadcast_in_dim3A_103 = vector.broadcast %broadcast_in_dim3A_102 : vector<1x768xi1> to vector<256x768xi1>
    %select_n3A_104 = arith.select %broadcast_in_dim3A_103, %concatenate3A_98, %concatenate3A_101 : vector<256x768xi1>, vector<256x768xf32>
    %mul3A_105 = arith.mulf %mul3A_95, %dot_general3A_34 : vector<256x768xf32>
    %mul3A_106 = arith.mulf %select_n3A_104, %dot_general3A_39 : vector<256x768xf32>
    %add3A_107 = arith.addf %mul3A_105, %mul3A_106 : vector<256x768xf32>
    %swap3A_108 = arith.constant 0 : index
    %swap3A_109 = arith.constant 0 : index
    %swap3A_110 = vector.load %arg10[%swap3A_108, %swap3A_109] : memref<256x768xf32, #tpu.memory_space<vmem>>, vector<256x768xf32>
    tpu.vector_store %arg10[%swap3A_108, %swap3A_109], %add3A_107 {strides = array<i32>} : memref<256x768xf32, #tpu.memory_space<vmem>>, vector<256x768xf32>,
    %slice3A_111 = vector.extract_strided_slice %dot_general3A_17 {offsets = [0, 1536], sizes = [256, 768], strides = [1, 1]} : vector<256x2304xf32> to vector<256x768xf32>
    %swap3A_112 = arith.constant 0 : index
    %swap3A_113 = arith.constant 0 : index
    %swap3A_114 = vector.load %arg11[%swap3A_112, %swap3A_113] : memref<256x768xf32, #tpu.memory_space<vmem>>, vector<256x768xf32>
    tpu.vector_store %arg11[%swap3A_112, %swap3A_113], %slice3A_111 {strides = array<i32>} : memref<256x768xf32, #tpu.memory_space<vmem>>, vector<256x768xf32>,
    return
  }
  func.func @transform_0(%arg0: i32) -> (i32, i32) {
    %c0_i32 = arith.constant 0 : i32
    %c0_i32_0 = arith.constant 0 : i32
    return %arg0, %c0_i32 : i32, i32
  }
  func.func @transform_1(%arg0: i32) -> (i32, i32) {
    %c0_i32 = arith.constant 0 : i32
    %c0_i32_0 = arith.constant 0 : i32
    %c0_i32_1 = arith.constant 0 : i32
    return %c0_i32, %c0_i32_0 : i32, i32
  }
  func.func @transform_2(%arg0: i32) -> (i32, i32) {
    %c0_i32 = arith.constant 0 : i32
    %c0_i32_0 = arith.constant 0 : i32
    %c0_i32_1 = arith.constant 0 : i32
    return %c0_i32, %c0_i32_0 : i32, i32
  }
  func.func @transform_3(%arg0: i32) -> (i32, i32) {
    %c0_i32 = arith.constant 0 : i32
    %c0_i32_0 = arith.constant 0 : i32
    %c0_i32_1 = arith.constant 0 : i32
    return %c0_i32, %c0_i32_0 : i32, i32
  }
  func.func @transform_4(%arg0: i32) -> (i32, i32) {
    %c0_i32 = arith.constant 0 : i32
    %c0_i32_0 = arith.constant 0 : i32
    %c0_i32_1 = arith.constant 0 : i32
    return %c0_i32, %c0_i32_0 : i32, i32
  }
  func.func @transform_5(%arg0: i32) -> (i32, i32) {
    %c0_i32 = arith.constant 0 : i32
    %c0_i32_0 = arith.constant 0 : i32
    %c0_i32_1 = arith.constant 0 : i32
    return %c0_i32, %c0_i32_0 : i32, i32
  }
  func.func @transform_6(%arg0: i32) -> (i32, i32) {
    %c0_i32 = arith.constant 0 : i32
    %c0_i32_0 = arith.constant 0 : i32
    %c0_i32_1 = arith.constant 0 : i32
    return %c0_i32, %c0_i32_0 : i32, i32
  }
  func.func @transform_7(%arg0: i32) -> (i32, i32) {
    %c0_i32 = arith.constant 0 : i32
    %c0_i32_0 = arith.constant 0 : i32
    %c0_i32_1 = arith.constant 0 : i32
    return %c0_i32, %c0_i32_0 : i32, i32
  }
  func.func @transform_8(%arg0: i32) -> (i32, i32) {
    %c0_i32 = arith.constant 0 : i32
    %c0_i32_0 = arith.constant 0 : i32
    return %arg0, %c0_i32 : i32, i32
  }
  func.func @transform_9(%arg0: i32) -> (i32, i32) {
    %c0_i32 = arith.constant 0 : i32
    %c0_i32_0 = arith.constant 0 : i32
    return %arg0, %c0_i32 : i32, i32
  }
  func.func @transform_10(%arg0: i32) -> (i32, i32) {
    %c0_i32 = arith.constant 0 : i32
    %c0_i32_0 = arith.constant 0 : i32
    return %arg0, %c0_i32 : i32, i32
  }
}

module attributes {stable_mosaic.version = 14 : i64} {
  func.func @body(%arg0: i32, %arg1: memref<1024x128xf32, #tpu.memory_space<vmem>>, %arg2: memref<1024x128xf32, #tpu.memory_space<vmem>>, %arg3: memref<1024x128xf32, #tpu.memory_space<vmem>>, %arg4: memref<1024x128xf32, #tpu.memory_space<vmem>>) attributes {dimension_semantics = [#tpu.dimension_semantics<arbitrary>], iteration_bounds = array<i64: 6>, scalar_prefetch = 0 : i64, scratch_operands = 0 : i64, tpu.core_type = #tpu.core_type<tc>, window_params = [{transform_indices = @transform_0, window_bounds = array<i64: 1024, 128>}, {transform_indices = @transform_1, window_bounds = array<i64: 1024, 128>}, {transform_indices = @transform_2, window_bounds = array<i64: 1024, 128>}, {transform_indices = @transform_3, window_bounds = array<i64: 1024, 128>}]} {
    %get3A = arith.constant 0 : index
    %get3A_0 = arith.constant 0 : index
    %get3A_1 = vector.load %arg1[%get3A, %get3A_0] : memref<1024x128xf32, #tpu.memory_space<vmem>>, vector<1024x128xf32>
    %get3A_2 = arith.constant 0 : index
    %get3A_3 = arith.constant 0 : index
    %get3A_4 = vector.load %arg2[%get3A_2, %get3A_3] : memref<1024x128xf32, #tpu.memory_space<vmem>>, vector<1024x128xf32>
    %get3A_5 = arith.constant 0 : index
    %get3A_6 = arith.constant 0 : index
    %get3A_7 = vector.load %arg3[%get3A_5, %get3A_6] : memref<1024x128xf32, #tpu.memory_space<vmem>>, vector<1024x128xf32>
    %iota3A = tpu.iota {dimensions = array<i32: 0>} : vector<1024x1xi32>
    %iota3A_8 = tpu.iota {dimensions = array<i32: 1>} : vector<1x1024xi32>
    %le3A = vector.broadcast %iota3A_8 : vector<1x1024xi32> to vector<1024x1024xi32>
    %le3A_9 = vector.broadcast %iota3A : vector<1024x1xi32> to vector<1024x1024xi32>
    %le3A_10 = arith.cmpi sle, %le3A, %le3A_9 : vector<1024x1024xi32>
    %slice3A = vector.extract_strided_slice %get3A_1 {offsets = [0, 0], sizes = [1024, 64], strides = [1, 1]} : vector<1024x128xf32> to vector<1024x64xf32>
    %slice3A_11 = vector.extract_strided_slice %get3A_4 {offsets = [0, 0], sizes = [1024, 64], strides = [1, 1]} : vector<1024x128xf32> to vector<1024x64xf32>
    %slice3A_12 = vector.extract_strided_slice %get3A_7 {offsets = [0, 0], sizes = [1024, 64], strides = [1, 1]} : vector<1024x128xf32> to vector<1024x64xf32>
    %dot_general3A = arith.constant dense<0.000000e+00> : vector<1024x1024xf32>
    %dot_general3A_13 = tpu.matmul %slice3A, %slice3A_11, %dot_general3A {dimension_numbers = #tpu.dot_dimension_numbers<[1], [1], [0], [0], [0, 0, 1, 0], [], []>, transpose_lhs_hint = false} : vector<1024x64xf32>, vector<1024x64xf32>, vector<1024x1024xf32> -> vector<1024x1024xf32>
    %mul3A = arith.constant 1.250000e-01 : f32
    %mul3A_14 = vector.broadcast %mul3A : f32 to vector<1024x1024xf32>
    %mul3A_15 = arith.mulf %dot_general3A_13, %mul3A_14 : vector<1024x1024xf32>
    %exp3A = math.exp %mul3A_15 : vector<1024x1024xf32>
    %jit3A = arith.constant 0.000000e+00 : f32
    %broadcast_in_dim3A = vector.broadcast %jit3A : f32 to vector<1024x1024xf32>
    %select_n3A = arith.select %le3A_10, %exp3A, %broadcast_in_dim3A : vector<1024x1024xi1>, vector<1024x1024xf32>
    %reduce_sum3A = arith.constant dense<0.000000e+00> : vector<1024xf32>
    %reduce_sum3A_16 = vector.multi_reduction <add>, %select_n3A, %reduce_sum3A [1] : vector<1024x1024xf32> to vector<1024xf32>
    %broadcast_in_dim3A_17 = vector.shape_cast %reduce_sum3A_16 : vector<1024xf32> to vector<1024x1xf32>
    %dot_general3A_18 = arith.constant dense<0.000000e+00> : vector<1024x64xf32>
    %dot_general3A_19 = tpu.matmul %select_n3A, %slice3A_12, %dot_general3A_18 {dimension_numbers = #tpu.dot_dimension_numbers<[1], [0], [0], [1], [0, 0, 1, 1], [], []>, transpose_lhs_hint = false} : vector<1024x1024xf32>, vector<1024x64xf32>, vector<1024x64xf32> -> vector<1024x64xf32>
    %div3A = arith.constant 1.000000e+00 : f32
    %div3A_20 = vector.broadcast %div3A : f32 to vector<1024x1xf32>
    %div3A_21 = arith.divf %div3A_20, %broadcast_in_dim3A_17 : vector<1024x1xf32>
    %mul3A_22 = vector.broadcast %div3A_21 : vector<1024x1xf32> to vector<1024x64xf32>
    %mul3A_23 = arith.mulf %dot_general3A_19, %mul3A_22 : vector<1024x64xf32>
    %slice3A_24 = vector.extract_strided_slice %get3A_1 {offsets = [0, 64], sizes = [1024, 64], strides = [1, 1]} : vector<1024x128xf32> to vector<1024x64xf32>
    %slice3A_25 = vector.extract_strided_slice %get3A_4 {offsets = [0, 64], sizes = [1024, 64], strides = [1, 1]} : vector<1024x128xf32> to vector<1024x64xf32>
    %slice3A_26 = vector.extract_strided_slice %get3A_7 {offsets = [0, 64], sizes = [1024, 64], strides = [1, 1]} : vector<1024x128xf32> to vector<1024x64xf32>
    %dot_general3A_27 = arith.constant dense<0.000000e+00> : vector<1024x1024xf32>
    %dot_general3A_28 = tpu.matmul %slice3A_24, %slice3A_25, %dot_general3A_27 {dimension_numbers = #tpu.dot_dimension_numbers<[1], [1], [0], [0], [0, 0, 1, 0], [], []>, transpose_lhs_hint = false} : vector<1024x64xf32>, vector<1024x64xf32>, vector<1024x1024xf32> -> vector<1024x1024xf32>
    %mul3A_29 = arith.constant 1.250000e-01 : f32
    %mul3A_30 = vector.broadcast %mul3A_29 : f32 to vector<1024x1024xf32>
    %mul3A_31 = arith.mulf %dot_general3A_28, %mul3A_30 : vector<1024x1024xf32>
    %exp3A_32 = math.exp %mul3A_31 : vector<1024x1024xf32>
    %jit3A_33 = arith.constant 0.000000e+00 : f32
    %broadcast_in_dim3A_34 = vector.broadcast %jit3A_33 : f32 to vector<1024x1024xf32>
    %select_n3A_35 = arith.select %le3A_10, %exp3A_32, %broadcast_in_dim3A_34 : vector<1024x1024xi1>, vector<1024x1024xf32>
    %reduce_sum3A_36 = arith.constant dense<0.000000e+00> : vector<1024xf32>
    %reduce_sum3A_37 = vector.multi_reduction <add>, %select_n3A_35, %reduce_sum3A_36 [1] : vector<1024x1024xf32> to vector<1024xf32>
    %broadcast_in_dim3A_38 = vector.shape_cast %reduce_sum3A_37 : vector<1024xf32> to vector<1024x1xf32>
    %dot_general3A_39 = arith.constant dense<0.000000e+00> : vector<1024x64xf32>
    %dot_general3A_40 = tpu.matmul %select_n3A_35, %slice3A_26, %dot_general3A_39 {dimension_numbers = #tpu.dot_dimension_numbers<[1], [0], [0], [1], [0, 0, 1, 1], [], []>, transpose_lhs_hint = false} : vector<1024x1024xf32>, vector<1024x64xf32>, vector<1024x64xf32> -> vector<1024x64xf32>
    %div3A_41 = arith.constant 1.000000e+00 : f32
    %div3A_42 = vector.broadcast %div3A_41 : f32 to vector<1024x1xf32>
    %div3A_43 = arith.divf %div3A_42, %broadcast_in_dim3A_38 : vector<1024x1xf32>
    %mul3A_44 = vector.broadcast %div3A_43 : vector<1024x1xf32> to vector<1024x64xf32>
    %mul3A_45 = arith.mulf %dot_general3A_40, %mul3A_44 : vector<1024x64xf32>
    %concatenate3A = tpu.concatenate %mul3A_23, %mul3A_45 in 1 : vector<1024x64xf32>, vector<1024x64xf32> -> vector<1024x128xf32>
    %swap3A = arith.constant 0 : index
    %swap3A_46 = arith.constant 0 : index
    %swap3A_47 = vector.load %arg4[%swap3A, %swap3A_46] : memref<1024x128xf32, #tpu.memory_space<vmem>>, vector<1024x128xf32>
    tpu.vector_store %arg4[%swap3A, %swap3A_46], %concatenate3A {strides = array<i32>} : memref<1024x128xf32, #tpu.memory_space<vmem>>, vector<1024x128xf32>,
    return
  }
  func.func @transform_0(%arg0: i32) -> (i32, i32) {
    %c0_i32 = arith.constant 0 : i32
    %c0_i32_0 = arith.constant 0 : i32
    return %c0_i32, %arg0 : i32, i32
  }
  func.func @transform_1(%arg0: i32) -> (i32, i32) {
    %c0_i32 = arith.constant 0 : i32
    %c0_i32_0 = arith.constant 0 : i32
    return %c0_i32, %arg0 : i32, i32
  }
  func.func @transform_2(%arg0: i32) -> (i32, i32) {
    %c0_i32 = arith.constant 0 : i32
    %c0_i32_0 = arith.constant 0 : i32
    return %c0_i32, %arg0 : i32, i32
  }
  func.func @transform_3(%arg0: i32) -> (i32, i32) {
    %c0_i32 = arith.constant 0 : i32
    %c0_i32_0 = arith.constant 0 : i32
    return %c0_i32, %arg0 : i32, i32
  }
}

module attributes {stable_mosaic.version = 14 : i64} {
  func.func @_stage_c_body(%arg0: i32, %arg1: memref<512x768xf32, #tpu.memory_space<vmem>>, %arg2: memref<512x768xf32, #tpu.memory_space<vmem>>, %arg3: memref<768x768xf32, #tpu.memory_space<vmem>>, %arg4: memref<1x768xf32, #tpu.memory_space<vmem>>, %arg5: memref<16x768xf32, #tpu.memory_space<vmem>>, %arg6: memref<256x768xf32, #tpu.memory_space<vmem>>, %arg7: memref<256x768xf32, #tpu.memory_space<vmem>>, %arg8: memref<768x256xf32, #tpu.memory_space<vmem>>, %arg9: memref<512x768xf32, #tpu.memory_space<vmem>>, %arg10: memref<512x768xf32, #tpu.memory_space<vmem>>, %arg11: memref<512x1xf32, #tpu.memory_space<vmem>>, %arg12: memref<512x1xi32, #tpu.memory_space<vmem>>, %arg13: memref<512x1xf32, #tpu.memory_space<vmem>>, %arg14: memref<1x16xf32, #tpu.memory_space<vmem>>) attributes {dimension_semantics = [#tpu.dimension_semantics<arbitrary>], iteration_bounds = array<i64: 4>, scalar_prefetch = 0 : i64, scratch_operands = 0 : i64, tpu.core_type = #tpu.core_type<tc>, window_params = [{transform_indices = @transform_0, window_bounds = array<i64: 512, 768>}, {transform_indices = @transform_1, window_bounds = array<i64: 512, 768>}, {pipeline_mode = #tpu.pipeline_mode<synchronous>, transform_indices = @transform_2, window_bounds = array<i64: 768, 768>}, {pipeline_mode = #tpu.pipeline_mode<synchronous>, transform_indices = @transform_3, window_bounds = array<i64: 1, 768>}, {pipeline_mode = #tpu.pipeline_mode<synchronous>, transform_indices = @transform_4, window_bounds = array<i64: 16, 768>}, {pipeline_mode = #tpu.pipeline_mode<synchronous>, transform_indices = @transform_5, window_bounds = array<i64: 256, 768>}, {pipeline_mode = #tpu.pipeline_mode<synchronous>, transform_indices = @transform_6, window_bounds = array<i64: 256, 768>}, {pipeline_mode = #tpu.pipeline_mode<synchronous>, transform_indices = @transform_7, window_bounds = array<i64: 768, 256>}, {transform_indices = @transform_8, window_bounds = array<i64: 512, 768>}, {transform_indices = @transform_9, window_bounds = array<i64: 512, 768>}, {transform_indices = @transform_10, window_bounds = array<i64: 512, 1>}, {transform_indices = @transform_11, window_bounds = array<i64: 512, 1>}, {transform_indices = @transform_12, window_bounds = array<i64: 512, 1>}, {pipeline_mode = #tpu.pipeline_mode<synchronous>, transform_indices = @transform_13, window_bounds = array<i64: 1, 16>}]} {
    %get3A = arith.constant 0 : index
    %get3A_0 = arith.constant 0 : index
    %get3A_1 = vector.load %arg1[%get3A, %get3A_0] : memref<512x768xf32, #tpu.memory_space<vmem>>, vector<512x768xf32>
    %get3A_2 = arith.constant 0 : index
    %get3A_3 = arith.constant 0 : index
    %get3A_4 = vector.load %arg3[%get3A_2, %get3A_3] : memref<768x768xf32, #tpu.memory_space<vmem>>, vector<768x768xf32>
    %dot_general3A = arith.constant dense<0.000000e+00> : vector<512x768xf32>
    %dot_general3A_5 = tpu.matmul %get3A_1, %get3A_4, %dot_general3A {dimension_numbers = #tpu.dot_dimension_numbers<[1], [1], [0], [0], [0, 0, 1, 0], [], []>, transpose_lhs_hint = false} : vector<512x768xf32>, vector<768x768xf32>, vector<512x768xf32> -> vector<512x768xf32>
    %get3A_6 = arith.constant 0 : index
    %get3A_7 = arith.constant 0 : index
    %get3A_8 = vector.load %arg2[%get3A_6, %get3A_7] : memref<512x768xf32, #tpu.memory_space<vmem>>, vector<512x768xf32>
    %add3A = arith.addf %get3A_8, %dot_general3A_5 : vector<512x768xf32>
    %mul3A = arith.mulf %add3A, %add3A : vector<512x768xf32>
    %reduce_sum3A = arith.constant dense<0.000000e+00> : vector<512xf32>
    %reduce_sum3A_9 = vector.multi_reduction <add>, %mul3A, %reduce_sum3A [1] : vector<512x768xf32> to vector<512xf32>
    %broadcast_in_dim3A = vector.shape_cast %reduce_sum3A_9 : vector<512xf32> to vector<512x1xf32>
    %div3A = arith.constant 7.680000e+02 : f32
    %div3A_10 = vector.broadcast %div3A : f32 to vector<512x1xf32>
    %div3A_11 = arith.divf %broadcast_in_dim3A, %div3A_10 : vector<512x1xf32>
    %add3A_12 = arith.constant 9.99999997E-7 : f32
    %add3A_13 = vector.broadcast %add3A_12 : f32 to vector<512x1xf32>
    %add3A_14 = arith.addf %div3A_11, %add3A_13 : vector<512x1xf32>
    %rsqrt3A = math.rsqrt %add3A_14 : vector<512x1xf32>
    %mul3A_15 = vector.broadcast %rsqrt3A : vector<512x1xf32> to vector<512x768xf32>
    %mul3A_16 = arith.mulf %add3A, %mul3A_15 : vector<512x768xf32>
    %get3A_17 = arith.constant 0 : index
    %get3A_18 = arith.constant 0 : index
    %get3A_19 = vector.load %arg4[%get3A_17, %get3A_18] : memref<1x768xf32, #tpu.memory_space<vmem>>, vector<1x768xf32>
    %mul3A_20 = vector.broadcast %get3A_19 : vector<1x768xf32> to vector<512x768xf32>
    %mul3A_21 = arith.mulf %mul3A_16, %mul3A_20 : vector<512x768xf32>
    %swap3A = arith.constant 0 : index
    %swap3A_22 = arith.constant 0 : index
    %swap3A_23 = vector.load %arg10[%swap3A, %swap3A_22] : memref<512x768xf32, #tpu.memory_space<vmem>>, vector<512x768xf32>
    tpu.vector_store %arg10[%swap3A, %swap3A_22], %mul3A_21 {strides = array<i32>} : memref<512x768xf32, #tpu.memory_space<vmem>>, vector<512x768xf32>,
    %get3A_24 = arith.constant 0 : index
    %get3A_25 = arith.constant 0 : index
    %get3A_26 = vector.load %arg5[%get3A_24, %get3A_25] : memref<16x768xf32, #tpu.memory_space<vmem>>, vector<16x768xf32>
    %dot_general3A_27 = arith.constant dense<0.000000e+00> : vector<512x16xf32>
    %dot_general3A_28 = tpu.matmul %mul3A_21, %get3A_26, %dot_general3A_27 {dimension_numbers = #tpu.dot_dimension_numbers<[1], [1], [0], [0], [0, 0, 1, 0], [], []>, transpose_lhs_hint = false} : vector<512x768xf32>, vector<16x768xf32>, vector<512x16xf32> -> vector<512x16xf32>
    %reduce_max3A = arith.constant dense<0xFF800000> : vector<512xf32>
    %reduce_max3A_29 = vector.multi_reduction <maximumf>, %dot_general3A_28, %reduce_max3A [1] : vector<512x16xf32> to vector<512xf32>
    %broadcast_in_dim3A_30 = vector.shape_cast %reduce_max3A_29 : vector<512xf32> to vector<512x1xf32>
    %sub3A = vector.broadcast %broadcast_in_dim3A_30 : vector<512x1xf32> to vector<512x16xf32>
    %sub3A_31 = arith.subf %dot_general3A_28, %sub3A : vector<512x16xf32>
    %exp3A = math.exp %sub3A_31 : vector<512x16xf32>
    %reduce_sum3A_32 = arith.constant dense<0.000000e+00> : vector<512xf32>
    %reduce_sum3A_33 = vector.multi_reduction <add>, %exp3A, %reduce_sum3A_32 [1] : vector<512x16xf32> to vector<512xf32>
    %broadcast_in_dim3A_34 = vector.shape_cast %reduce_sum3A_33 : vector<512xf32> to vector<512x1xf32>
    %div3A_35 = vector.broadcast %broadcast_in_dim3A_34 : vector<512x1xf32> to vector<512x16xf32>
    %div3A_36 = arith.divf %exp3A, %div3A_35 : vector<512x16xf32>
    %reduce_max3A_37 = arith.constant dense<0xFF800000> : vector<512xf32>
    %reduce_max3A_38 = vector.multi_reduction <maximumf>, %div3A_36, %reduce_max3A_37 [1] : vector<512x16xf32> to vector<512xf32>
    %broadcast_in_dim3A_39 = vector.shape_cast %reduce_max3A_38 : vector<512xf32> to vector<512x1xf32>
    %iota3A = tpu.iota {dimensions = array<i32: 1>} : vector<512x16xi32>
    %eq3A = vector.broadcast %broadcast_in_dim3A_39 : vector<512x1xf32> to vector<512x16xf32>
    %eq3A_40 = arith.cmpf oeq, %div3A_36, %eq3A : vector<512x16xf32>
    %jit3A = arith.constant 16 : i32
    %broadcast_in_dim3A_41 = vector.broadcast %jit3A : i32 to vector<512x16xi32>
    %select_n3A = arith.select %eq3A_40, %iota3A, %broadcast_in_dim3A_41 : vector<512x16xi1>, vector<512x16xi32>
    %reduce_min3A = arith.constant dense<2147483647> : vector<512xi32>
    %reduce_min3A_42 = vector.multi_reduction <minsi>, %select_n3A, %reduce_min3A [1] : vector<512x16xi32> to vector<512xi32>
    %broadcast_in_dim3A_43 = vector.shape_cast %reduce_min3A_42 : vector<512xi32> to vector<512x1xi32>
    %swap3A_44 = arith.constant 0 : index
    %swap3A_45 = arith.constant 0 : index
    %swap3A_46 = vector.load %arg11[%swap3A_44, %swap3A_45] : memref<512x1xf32, #tpu.memory_space<vmem>>, vector<512x1xf32>
    tpu.vector_store %arg11[%swap3A_44, %swap3A_45], %broadcast_in_dim3A_39 {strides = array<i32>} : memref<512x1xf32, #tpu.memory_space<vmem>>, vector<512x1xf32>,
    %swap3A_47 = arith.constant 0 : index
    %swap3A_48 = arith.constant 0 : index
    %swap3A_49 = vector.load %arg12[%swap3A_47, %swap3A_48] : memref<512x1xi32, #tpu.memory_space<vmem>>, vector<512x1xi32>
    tpu.vector_store %arg12[%swap3A_47, %swap3A_48], %broadcast_in_dim3A_43 {strides = array<i32>} : memref<512x1xi32, #tpu.memory_space<vmem>>, vector<512x1xi32>,
    %eq3A_50 = arith.constant 0 : i32
    %eq3A_51 = arith.cmpi eq, %arg0, %eq3A_50 : i32
    %convert_element_type3A = arith.extui %eq3A_51 : i1 to i32
    %cond3A = arith.constant 0 : i32
    %cond3A_52 = arith.cmpi ne, %convert_element_type3A, %cond3A : i32
    scf.if %cond3A_52 {
      %broadcast_in_dim3A_112 = arith.constant 0.000000e+00 : f32
      %broadcast_in_dim3A_113 = vector.broadcast %broadcast_in_dim3A_112 : f32 to vector<1x16xf32>
      %swap3A_114 = arith.constant 0 : index
      %swap3A_115 = arith.constant 0 : index
      %swap3A_116 = vector.load %arg14[%swap3A_114, %swap3A_115] : memref<1x16xf32, #tpu.memory_space<vmem>>, vector<1x16xf32>
      tpu.vector_store %arg14[%swap3A_114, %swap3A_115], %broadcast_in_dim3A_113 {strides = array<i32>} : memref<1x16xf32, #tpu.memory_space<vmem>>, vector<1x16xf32>,
    } else {
    }
    %eq3A_53 = vector.broadcast %broadcast_in_dim3A_43 : vector<512x1xi32> to vector<512x16xi32>
    %eq3A_54 = arith.cmpi eq, %iota3A, %eq3A_53 : vector<512x16xi32>
    %convert_element_type3A_55 = arith.extui %eq3A_54 : vector<512x16xi1> to vector<512x16xi32>
    %convert_element_type3A_56 = arith.sitofp %convert_element_type3A_55 : vector<512x16xi32> to vector<512x16xf32>
    %iota3A_57 = tpu.iota {dimensions = array<i32: 0>} : vector<512x512xi32>
    %iota3A_58 = tpu.iota {dimensions = array<i32: 1>} : vector<512x512xi32>
    %lt3A = arith.cmpi slt, %iota3A_58, %iota3A_57 : vector<512x512xi32>
    %convert_element_type3A_59 = arith.extui %lt3A : vector<512x512xi1> to vector<512x512xi32>
    %convert_element_type3A_60 = arith.sitofp %convert_element_type3A_59 : vector<512x512xi32> to vector<512x512xf32>
    %dot_general3A_61 = arith.constant dense<0.000000e+00> : vector<512x16xf32>
    %dot_general3A_62 = tpu.matmul %convert_element_type3A_60, %convert_element_type3A_56, %dot_general3A_61 {dimension_numbers = #tpu.dot_dimension_numbers<[1], [0], [0], [1], [0, 0, 1, 1], [], []>, transpose_lhs_hint = false} : vector<512x512xf32>, vector<512x16xf32>, vector<512x16xf32> -> vector<512x16xf32>
    %get3A_63 = arith.constant 0 : index
    %get3A_64 = arith.constant 0 : index
    %get3A_65 = vector.load %arg14[%get3A_63, %get3A_64] : memref<1x16xf32, #tpu.memory_space<vmem>>, vector<1x16xf32>
    %add3A_66 = vector.broadcast %get3A_65 : vector<1x16xf32> to vector<512x16xf32>
    %add3A_67 = arith.addf %dot_general3A_62, %add3A_66 : vector<512x16xf32>
    %mul3A_68 = arith.mulf %convert_element_type3A_56, %add3A_67 : vector<512x16xf32>
    %reduce_sum3A_69 = arith.constant dense<0.000000e+00> : vector<512xf32>
    %reduce_sum3A_70 = vector.multi_reduction <add>, %mul3A_68, %reduce_sum3A_69 [1] : vector<512x16xf32> to vector<512xf32>
    %broadcast_in_dim3A_71 = vector.shape_cast %reduce_sum3A_70 : vector<512xf32> to vector<512x1xf32>
    %swap3A_72 = arith.constant 0 : index
    %swap3A_73 = arith.constant 0 : index
    %swap3A_74 = vector.load %arg13[%swap3A_72, %swap3A_73] : memref<512x1xf32, #tpu.memory_space<vmem>>, vector<512x1xf32>
    tpu.vector_store %arg13[%swap3A_72, %swap3A_73], %broadcast_in_dim3A_71 {strides = array<i32>} : memref<512x1xf32, #tpu.memory_space<vmem>>, vector<512x1xf32>,
    %reduce_sum3A_75 = arith.constant dense<0.000000e+00> : vector<16xf32>
    %reduce_sum3A_76 = vector.multi_reduction <add>, %convert_element_type3A_56, %reduce_sum3A_75 [0] : vector<512x16xf32> to vector<16xf32>
    %broadcast_in_dim3A_77 = vector.shape_cast %reduce_sum3A_76 : vector<16xf32> to vector<1x16xf32>
    %add3A_78 = arith.addf %get3A_65, %broadcast_in_dim3A_77 : vector<1x16xf32>
    %swap3A_79 = arith.constant 0 : index
    %swap3A_80 = arith.constant 0 : index
    %swap3A_81 = vector.load %arg14[%swap3A_79, %swap3A_80] : memref<1x16xf32, #tpu.memory_space<vmem>>, vector<1x16xf32>
    tpu.vector_store %arg14[%swap3A_79, %swap3A_80], %add3A_78 {strides = array<i32>} : memref<1x16xf32, #tpu.memory_space<vmem>>, vector<1x16xf32>,
    %get3A_82 = arith.constant 0 : index
    %get3A_83 = arith.constant 0 : index
    %get3A_84 = vector.load %arg6[%get3A_82, %get3A_83] : memref<256x768xf32, #tpu.memory_space<vmem>>, vector<256x768xf32>
    %dot_general3A_85 = arith.constant dense<0.000000e+00> : vector<512x256xf32>
    %dot_general3A_86 = tpu.matmul %mul3A_21, %get3A_84, %dot_general3A_85 {dimension_numbers = #tpu.dot_dimension_numbers<[1], [1], [0], [0], [0, 0, 1, 0], [], []>, transpose_lhs_hint = false} : vector<512x768xf32>, vector<256x768xf32>, vector<512x256xf32> -> vector<512x256xf32>
    %get3A_87 = arith.constant 0 : index
    %get3A_88 = arith.constant 0 : index
    %get3A_89 = vector.load %arg7[%get3A_87, %get3A_88] : memref<256x768xf32, #tpu.memory_space<vmem>>, vector<256x768xf32>
    %dot_general3A_90 = arith.constant dense<0.000000e+00> : vector<512x256xf32>
    %dot_general3A_91 = tpu.matmul %mul3A_21, %get3A_89, %dot_general3A_90 {dimension_numbers = #tpu.dot_dimension_numbers<[1], [1], [0], [0], [0, 0, 1, 0], [], []>, transpose_lhs_hint = false} : vector<512x768xf32>, vector<256x768xf32>, vector<512x256xf32> -> vector<512x256xf32>
    %neg3A = arith.constant 0.000000e+00 : f32
    %neg3A_92 = vector.broadcast %neg3A : f32 to vector<512x256xf32>
    %neg3A_93 = arith.subf %neg3A_92, %dot_general3A_86 : vector<512x256xf32>
    %exp3A_94 = math.exp %neg3A_93 : vector<512x256xf32>
    %add3A_95 = arith.constant 1.000000e+00 : f32
    %add3A_96 = vector.broadcast %add3A_95 : f32 to vector<512x256xf32>
    %add3A_97 = arith.addf %add3A_96, %exp3A_94 : vector<512x256xf32>
    %div3A_98 = arith.constant 1.000000e+00 : f32
    %div3A_99 = vector.broadcast %div3A_98 : f32 to vector<512x256xf32>
    %div3A_100 = arith.divf %div3A_99, %add3A_97 : vector<512x256xf32>
    %mul3A_101 = arith.mulf %dot_general3A_86, %div3A_100 : vector<512x256xf32>
    %mul3A_102 = arith.mulf %mul3A_101, %dot_general3A_91 : vector<512x256xf32>
    %get3A_103 = arith.constant 0 : index
    %get3A_104 = arith.constant 0 : index
    %get3A_105 = vector.load %arg8[%get3A_103, %get3A_104] : memref<768x256xf32, #tpu.memory_space<vmem>>, vector<768x256xf32>
    %dot_general3A_106 = arith.constant dense<0.000000e+00> : vector<512x768xf32>
    %dot_general3A_107 = tpu.matmul %mul3A_102, %get3A_105, %dot_general3A_106 {dimension_numbers = #tpu.dot_dimension_numbers<[1], [1], [0], [0], [0, 0, 1, 0], [], []>, transpose_lhs_hint = false} : vector<512x256xf32>, vector<768x256xf32>, vector<512x768xf32> -> vector<512x768xf32>
    %add3A_108 = arith.addf %add3A, %dot_general3A_107 : vector<512x768xf32>
    %swap3A_109 = arith.constant 0 : index
    %swap3A_110 = arith.constant 0 : index
    %swap3A_111 = vector.load %arg9[%swap3A_109, %swap3A_110] : memref<512x768xf32, #tpu.memory_space<vmem>>, vector<512x768xf32>
    tpu.vector_store %arg9[%swap3A_109, %swap3A_110], %add3A_108 {strides = array<i32>} : memref<512x768xf32, #tpu.memory_space<vmem>>, vector<512x768xf32>,
    return
  }
  func.func @transform_0(%arg0: i32) -> (i32, i32) {
    %c0_i32 = arith.constant 0 : i32
    %c0_i32_0 = arith.constant 0 : i32
    return %arg0, %c0_i32 : i32, i32
  }
  func.func @transform_1(%arg0: i32) -> (i32, i32) {
    %c0_i32 = arith.constant 0 : i32
    %c0_i32_0 = arith.constant 0 : i32
    return %arg0, %c0_i32 : i32, i32
  }
  func.func @transform_2(%arg0: i32) -> (i32, i32) {
    %c0_i32 = arith.constant 0 : i32
    %c0_i32_0 = arith.constant 0 : i32
    %c0_i32_1 = arith.constant 0 : i32
    return %c0_i32, %c0_i32_0 : i32, i32
  }
  func.func @transform_3(%arg0: i32) -> (i32, i32) {
    %c0_i32 = arith.constant 0 : i32
    %c0_i32_0 = arith.constant 0 : i32
    %c0_i32_1 = arith.constant 0 : i32
    return %c0_i32, %c0_i32_0 : i32, i32
  }
  func.func @transform_4(%arg0: i32) -> (i32, i32) {
    %c0_i32 = arith.constant 0 : i32
    %c0_i32_0 = arith.constant 0 : i32
    %c0_i32_1 = arith.constant 0 : i32
    return %c0_i32, %c0_i32_0 : i32, i32
  }
  func.func @transform_5(%arg0: i32) -> (i32, i32) {
    %c0_i32 = arith.constant 0 : i32
    %c0_i32_0 = arith.constant 0 : i32
    %c0_i32_1 = arith.constant 0 : i32
    return %c0_i32, %c0_i32_0 : i32, i32
  }
  func.func @transform_6(%arg0: i32) -> (i32, i32) {
    %c0_i32 = arith.constant 0 : i32
    %c0_i32_0 = arith.constant 0 : i32
    %c0_i32_1 = arith.constant 0 : i32
    return %c0_i32, %c0_i32_0 : i32, i32
  }
  func.func @transform_7(%arg0: i32) -> (i32, i32) {
    %c0_i32 = arith.constant 0 : i32
    %c0_i32_0 = arith.constant 0 : i32
    %c0_i32_1 = arith.constant 0 : i32
    return %c0_i32, %c0_i32_0 : i32, i32
  }
  func.func @transform_8(%arg0: i32) -> (i32, i32) {
    %c0_i32 = arith.constant 0 : i32
    %c0_i32_0 = arith.constant 0 : i32
    return %arg0, %c0_i32 : i32, i32
  }
  func.func @transform_9(%arg0: i32) -> (i32, i32) {
    %c0_i32 = arith.constant 0 : i32
    %c0_i32_0 = arith.constant 0 : i32
    return %arg0, %c0_i32 : i32, i32
  }
  func.func @transform_10(%arg0: i32) -> (i32, i32) {
    %c0_i32 = arith.constant 0 : i32
    %c0_i32_0 = arith.constant 0 : i32
    return %arg0, %c0_i32 : i32, i32
  }
  func.func @transform_11(%arg0: i32) -> (i32, i32) {
    %c0_i32 = arith.constant 0 : i32
    %c0_i32_0 = arith.constant 0 : i32
    return %arg0, %c0_i32 : i32, i32
  }
  func.func @transform_12(%arg0: i32) -> (i32, i32) {
    %c0_i32 = arith.constant 0 : i32
    %c0_i32_0 = arith.constant 0 : i32
    return %arg0, %c0_i32 : i32, i32
  }
  func.func @transform_13(%arg0: i32) -> (i32, i32) {
    %c0_i32 = arith.constant 0 : i32
    %c0_i32_0 = arith.constant 0 : i32
    %c0_i32_1 = arith.constant 0 : i32
    return %c0_i32, %c0_i32_0 : i32, i32
  }
}

module attributes {stable_mosaic.version = 14 : i64} {
  func.func @_stage_f_body(%arg0: i32, %arg1: memref<2048x1xi32, #tpu.memory_space<vmem>>, %arg2: memref<2048x1xf32, #tpu.memory_space<vmem>>, %arg3: memref<1x16xf32, #tpu.memory_space<vmem>>, %arg4: memref<2048x1xi32, #tpu.memory_space<vmem>>, %arg5: memref<1x32xi32, #tpu.memory_space<vmem>>, %arg6: memref<1x32xi32, #tpu.memory_space<vmem>>) attributes {dimension_semantics = [#tpu.dimension_semantics<arbitrary>], iteration_bounds = array<i64: 1>, scalar_prefetch = 0 : i64, scratch_operands = 0 : i64, tpu.core_type = #tpu.core_type<tc>, window_params = [{pipeline_mode = #tpu.pipeline_mode<synchronous>, transform_indices = @transform_0, window_bounds = array<i64: 2048, 1>}, {pipeline_mode = #tpu.pipeline_mode<synchronous>, transform_indices = @transform_1, window_bounds = array<i64: 2048, 1>}, {pipeline_mode = #tpu.pipeline_mode<synchronous>, transform_indices = @transform_2, window_bounds = array<i64: 1, 16>}, {pipeline_mode = #tpu.pipeline_mode<synchronous>, transform_indices = @transform_3, window_bounds = array<i64: 2048, 1>}, {pipeline_mode = #tpu.pipeline_mode<synchronous>, transform_indices = @transform_4, window_bounds = array<i64: 1, 32>}, {pipeline_mode = #tpu.pipeline_mode<synchronous>, transform_indices = @transform_5, window_bounds = array<i64: 1, 32>}]} {
    %get3A = arith.constant 0 : index
    %get3A_0 = arith.constant 0 : index
    %get3A_1 = vector.load %arg3[%get3A, %get3A_0] : memref<1x16xf32, #tpu.memory_space<vmem>>, vector<1x16xf32>
    %add3A = arith.constant 1.270000e+02 : f32
    %add3A_2 = vector.broadcast %add3A : f32 to vector<1x16xf32>
    %add3A_3 = arith.addf %get3A_1, %add3A_2 : vector<1x16xf32>
    %mul3A = arith.constant 7.812500e-03 : f32
    %mul3A_4 = vector.broadcast %mul3A : f32 to vector<1x16xf32>
    %mul3A_5 = arith.mulf %add3A_3, %mul3A_4 : vector<1x16xf32>
    %floor3A = math.floor %mul3A_5 : vector<1x16xf32>
    %mul3A_6 = arith.constant 1.280000e+02 : f32
    %mul3A_7 = vector.broadcast %mul3A_6 : f32 to vector<1x16xf32>
    %mul3A_8 = arith.mulf %floor3A, %mul3A_7 : vector<1x16xf32>
    %iota3A = tpu.iota {dimensions = array<i32: 0>} : vector<16x16xi32>
    %iota3A_9 = tpu.iota {dimensions = array<i32: 1>} : vector<16x16xi32>
    %lt3A = arith.cmpi slt, %iota3A, %iota3A_9 : vector<16x16xi32>
    %convert_element_type3A = arith.extui %lt3A : vector<16x16xi1> to vector<16x16xi32>
    %convert_element_type3A_10 = arith.sitofp %convert_element_type3A : vector<16x16xi32> to vector<16x16xf32>
    %dot_general3A = arith.constant dense<0.000000e+00> : vector<1x16xf32>
    %dot_general3A_11 = tpu.matmul %mul3A_8, %convert_element_type3A_10, %dot_general3A {dimension_numbers = #tpu.dot_dimension_numbers<[1], [0], [0], [1], [0, 0, 1, 1], [], []>, transpose_lhs_hint = false} : vector<1x16xf32>, vector<16x16xf32>, vector<1x16xf32> -> vector<1x16xf32>
    %get3A_12 = arith.constant 0 : index
    %get3A_13 = arith.constant 0 : index
    %get3A_14 = vector.load %arg1[%get3A_12, %get3A_13] : memref<2048x1xi32, #tpu.memory_space<vmem>>, vector<2048x1xi32>
    %iota3A_15 = tpu.iota {dimensions = array<i32: 1>} : vector<2048x16xi32>
    %eq3A = vector.broadcast %get3A_14 : vector<2048x1xi32> to vector<2048x16xi32>
    %eq3A_16 = arith.cmpi eq, %iota3A_15, %eq3A : vector<2048x16xi32>
    %convert_element_type3A_17 = arith.extui %eq3A_16 : vector<2048x16xi1> to vector<2048x16xi32>
    %convert_element_type3A_18 = arith.sitofp %convert_element_type3A_17 : vector<2048x16xi32> to vector<2048x16xf32>
    %mul3A_19 = vector.broadcast %dot_general3A_11 : vector<1x16xf32> to vector<2048x16xf32>
    %mul3A_20 = arith.mulf %convert_element_type3A_18, %mul3A_19 : vector<2048x16xf32>
    %reduce_sum3A = arith.constant dense<0.000000e+00> : vector<2048xf32>
    %reduce_sum3A_21 = vector.multi_reduction <add>, %mul3A_20, %reduce_sum3A [1] : vector<2048x16xf32> to vector<2048xf32>
    %broadcast_in_dim3A = vector.shape_cast %reduce_sum3A_21 : vector<2048xf32> to vector<2048x1xf32>
    %get3A_22 = arith.constant 0 : index
    %get3A_23 = arith.constant 0 : index
    %get3A_24 = vector.load %arg2[%get3A_22, %get3A_23] : memref<2048x1xf32, #tpu.memory_space<vmem>>, vector<2048x1xf32>
    %add3A_25 = arith.addf %broadcast_in_dim3A, %get3A_24 : vector<2048x1xf32>
    %convert_element_type3A_26 = arith.fptosi %add3A_25 : vector<2048x1xf32> to vector<2048x1xi32>
    %swap3A = arith.constant 0 : index
    %swap3A_27 = arith.constant 0 : index
    %swap3A_28 = vector.load %arg4[%swap3A, %swap3A_27] : memref<2048x1xi32, #tpu.memory_space<vmem>>, vector<2048x1xi32>
    tpu.vector_store %arg4[%swap3A, %swap3A_27], %convert_element_type3A_26 {strides = array<i32>} : memref<2048x1xi32, #tpu.memory_space<vmem>>, vector<2048x1xi32>,
    %add3A_29 = arith.addf %dot_general3A_11, %mul3A_8 : vector<1x16xf32>
    %iota3A_30 = tpu.iota {dimensions = array<i32: 1>} : vector<1x32xi32>
    %mul3A_31 = arith.constant 128 : i32
    %mul3A_32 = vector.broadcast %mul3A_31 : i32 to vector<1x32xi32>
    %mul3A_33 = arith.muli %mul3A_32, %iota3A_30 : vector<1x32xi32>
    %convert_element_type3A_34 = arith.sitofp %mul3A_33 : vector<1x32xi32> to vector<1x32xf32>
    %broadcast_in_dim3A_35 = vector.shape_cast %convert_element_type3A_34 : vector<1x32xf32> to vector<1x32xf32>
    %broadcast_in_dim3A_36 = vector.broadcast %broadcast_in_dim3A_35 : vector<1x32xf32> to vector<16x32xf32>
    %reshape3A = vector.shape_cast %add3A_29 : vector<1x16xf32> to vector<16x1xf32>
    %broadcast_in_dim3A_37 = vector.shape_cast %reshape3A : vector<16x1xf32> to vector<16x1xf32>
    %broadcast_in_dim3A_38 = vector.broadcast %broadcast_in_dim3A_37 : vector<16x1xf32> to vector<16x32xf32>
    %ge3A = arith.cmpf oge, %broadcast_in_dim3A_36, %broadcast_in_dim3A_38 : vector<16x32xf32>
    %convert_element_type3A_39 = arith.extui %ge3A : vector<16x32xi1> to vector<16x32xi32>
    %reduce_sum3A_40 = arith.constant dense<0> : vector<32xi32>
    %reduce_sum3A_41 = vector.multi_reduction <add>, %convert_element_type3A_39, %reduce_sum3A_40 [0] : vector<16x32xi32> to vector<32xi32>
    %broadcast_in_dim3A_42 = vector.shape_cast %reduce_sum3A_41 : vector<32xi32> to vector<1x32xi32>
    %min3A = arith.constant 15 : i32
    %min3A_43 = vector.broadcast %min3A : i32 to vector<1x32xi32>
    %min3A_44 = arith.minsi %broadcast_in_dim3A_42, %min3A_43 : vector<1x32xi32>
    %swap3A_45 = arith.constant 0 : index
    %swap3A_46 = arith.constant 0 : index
    %swap3A_47 = vector.load %arg5[%swap3A_45, %swap3A_46] : memref<1x32xi32, #tpu.memory_space<vmem>>, vector<1x32xi32>
    tpu.vector_store %arg5[%swap3A_45, %swap3A_46], %min3A_44 {strides = array<i32>} : memref<1x32xi32, #tpu.memory_space<vmem>>, vector<1x32xi32>,
    %reduce_sum3A_48 = arith.constant dense<0.000000e+00> : vector<1xf32>
    %reduce_sum3A_49 = vector.multi_reduction <add>, %mul3A_8, %reduce_sum3A_48 [1] : vector<1x16xf32> to vector<1xf32>
    %broadcast_in_dim3A_50 = vector.shape_cast %reduce_sum3A_49 : vector<1xf32> to vector<1x1xf32>
    %lt3A_51 = vector.broadcast %broadcast_in_dim3A_50 : vector<1x1xf32> to vector<1x32xf32>
    %lt3A_52 = arith.cmpf olt, %convert_element_type3A_34, %lt3A_51 : vector<1x32xf32>
    %convert_element_type3A_53 = arith.extui %lt3A_52 : vector<1x32xi1> to vector<1x32xi32>
    %swap3A_54 = arith.constant 0 : index
    %swap3A_55 = arith.constant 0 : index
    %swap3A_56 = vector.load %arg6[%swap3A_54, %swap3A_55] : memref<1x32xi32, #tpu.memory_space<vmem>>, vector<1x32xi32>
    tpu.vector_store %arg6[%swap3A_54, %swap3A_55], %convert_element_type3A_53 {strides = array<i32>} : memref<1x32xi32, #tpu.memory_space<vmem>>, vector<1x32xi32>,
    return
  }
  func.func @transform_0(%arg0: i32) -> (i32, i32) {
    %c0_i32 = arith.constant 0 : i32
    %c0_i32_0 = arith.constant 0 : i32
    %c0_i32_1 = arith.constant 0 : i32
    return %c0_i32, %c0_i32_0 : i32, i32
  }
  func.func @transform_1(%arg0: i32) -> (i32, i32) {
    %c0_i32 = arith.constant 0 : i32
    %c0_i32_0 = arith.constant 0 : i32
    %c0_i32_1 = arith.constant 0 : i32
    return %c0_i32, %c0_i32_0 : i32, i32
  }
  func.func @transform_2(%arg0: i32) -> (i32, i32) {
    %c0_i32 = arith.constant 0 : i32
    %c0_i32_0 = arith.constant 0 : i32
    %c0_i32_1 = arith.constant 0 : i32
    return %c0_i32, %c0_i32_0 : i32, i32
  }
  func.func @transform_3(%arg0: i32) -> (i32, i32) {
    %c0_i32 = arith.constant 0 : i32
    %c0_i32_0 = arith.constant 0 : i32
    %c0_i32_1 = arith.constant 0 : i32
    return %c0_i32, %c0_i32_0 : i32, i32
  }
  func.func @transform_4(%arg0: i32) -> (i32, i32) {
    %c0_i32 = arith.constant 0 : i32
    %c0_i32_0 = arith.constant 0 : i32
    %c0_i32_1 = arith.constant 0 : i32
    return %c0_i32, %c0_i32_0 : i32, i32
  }
  func.func @transform_5(%arg0: i32) -> (i32, i32) {
    %c0_i32 = arith.constant 0 : i32
    %c0_i32_0 = arith.constant 0 : i32
    %c0_i32_1 = arith.constant 0 : i32
    return %c0_i32, %c0_i32_0 : i32, i32
  }
}

module attributes {stable_mosaic.version = 14 : i64} {
  func.func @_stage_d_body(%arg0: i32, %arg1: memref<32xi32, #tpu.memory_space<smem>>, %arg2: memref<32xi32, #tpu.memory_space<smem>>, %arg3: memref<128x768xf32, #tpu.memory_space<vmem>>, %arg4: memref<1x512x768xf32, #tpu.memory_space<vmem>>, %arg5: memref<1x768x256xf32, #tpu.memory_space<vmem>>, %arg6: memref<128x768xf32, #tpu.memory_space<vmem>>) attributes {dimension_semantics = [#tpu.dimension_semantics<arbitrary>], iteration_bounds = array<i64: 32>, scalar_prefetch = 2 : i64, scratch_operands = 0 : i64, tpu.core_type = #tpu.core_type<tc>, window_params = [{transform_indices = @transform_0, window_bounds = array<i64: 128, 768>}, {transform_indices = @transform_1, window_bounds = array<i64: 1, 512, 768>}, {transform_indices = @transform_2, window_bounds = array<i64: 1, 768, 256>}, {transform_indices = @transform_3, window_bounds = array<i64: 128, 768>}]} {
    %get3A = arith.index_cast %arg0 : i32 to index
    %get3A_0 = memref.load %arg2[%get3A] : memref<32xi32, #tpu.memory_space<smem>>
    %eq3A = arith.constant 1 : i32
    %eq3A_1 = arith.cmpi eq, %get3A_0, %eq3A : i32
    %convert_element_type3A = arith.extui %eq3A_1 : i1 to i32
    %cond3A = arith.constant 0 : i32
    %cond3A_2 = arith.cmpi ne, %convert_element_type3A, %cond3A : i32
    scf.if %cond3A_2 {
      %get3A_3 = arith.constant 0 : index
      %get3A_4 = arith.constant 0 : index
      %get3A_5 = vector.load %arg3[%get3A_3, %get3A_4] : memref<128x768xf32, #tpu.memory_space<vmem>>, vector<128x768xf32>
      %get3A_6 = arith.constant 0 : index
      %get3A_7 = arith.constant 0 : index
      %get3A_8 = arith.constant 0 : index
      %get3A_9 = vector.load %arg4[%get3A_6, %get3A_7, %get3A_8] : memref<1x512x768xf32, #tpu.memory_space<vmem>>, vector<1x512x768xf32>
      %get3A_10 = vector.shape_cast %get3A_9 : vector<1x512x768xf32> to vector<512x768xf32>
      %dot_general3A = arith.constant dense<0.000000e+00> : vector<128x512xf32>
      %dot_general3A_11 = tpu.matmul %get3A_5, %get3A_10, %dot_general3A {dimension_numbers = #tpu.dot_dimension_numbers<[1], [1], [0], [0], [0, 0, 1, 0], [], []>, transpose_lhs_hint = false} : vector<128x768xf32>, vector<512x768xf32>, vector<128x512xf32> -> vector<128x512xf32>
      %slice3A = vector.extract_strided_slice %dot_general3A_11 {offsets = [0, 0], sizes = [128, 256], strides = [1, 1]} : vector<128x512xf32> to vector<128x256xf32>
      %slice3A_12 = vector.extract_strided_slice %dot_general3A_11 {offsets = [0, 256], sizes = [128, 256], strides = [1, 1]} : vector<128x512xf32> to vector<128x256xf32>
      %neg3A = arith.constant 0.000000e+00 : f32
      %neg3A_13 = vector.broadcast %neg3A : f32 to vector<128x256xf32>
      %neg3A_14 = arith.subf %neg3A_13, %slice3A : vector<128x256xf32>
      %exp3A = math.exp %neg3A_14 : vector<128x256xf32>
      %add3A = arith.constant 1.000000e+00 : f32
      %add3A_15 = vector.broadcast %add3A : f32 to vector<128x256xf32>
      %add3A_16 = arith.addf %add3A_15, %exp3A : vector<128x256xf32>
      %div3A = arith.constant 1.000000e+00 : f32
      %div3A_17 = vector.broadcast %div3A : f32 to vector<128x256xf32>
      %div3A_18 = arith.divf %div3A_17, %add3A_16 : vector<128x256xf32>
      %mul3A = arith.mulf %slice3A, %div3A_18 : vector<128x256xf32>
      %mul3A_19 = arith.mulf %mul3A, %slice3A_12 : vector<128x256xf32>
      %get3A_20 = arith.constant 0 : index
      %get3A_21 = arith.constant 0 : index
      %get3A_22 = arith.constant 0 : index
      %get3A_23 = vector.load %arg5[%get3A_20, %get3A_21, %get3A_22] : memref<1x768x256xf32, #tpu.memory_space<vmem>>, vector<1x768x256xf32>
      %get3A_24 = vector.shape_cast %get3A_23 : vector<1x768x256xf32> to vector<768x256xf32>
      %dot_general3A_25 = arith.constant dense<0.000000e+00> : vector<128x768xf32>
      %dot_general3A_26 = tpu.matmul %mul3A_19, %get3A_24, %dot_general3A_25 {dimension_numbers = #tpu.dot_dimension_numbers<[1], [1], [0], [0], [0, 0, 1, 0], [], []>, transpose_lhs_hint = false} : vector<128x256xf32>, vector<768x256xf32>, vector<128x768xf32> -> vector<128x768xf32>
      %swap3A = arith.constant 0 : index
      %swap3A_27 = arith.constant 0 : index
      %swap3A_28 = vector.load %arg6[%swap3A, %swap3A_27] : memref<128x768xf32, #tpu.memory_space<vmem>>, vector<128x768xf32>
      tpu.vector_store %arg6[%swap3A, %swap3A_27], %dot_general3A_26 {strides = array<i32>} : memref<128x768xf32, #tpu.memory_space<vmem>>, vector<128x768xf32>,
    } else {
    }
    return
  }
  func.func @transform_0(%arg0: i32, %arg1: memref<32xi32, #tpu.memory_space<smem>>, %arg2: memref<32xi32, #tpu.memory_space<smem>>) -> (i32, i32) {
    %c0_i32 = arith.constant 0 : i32
    %c0_i32_0 = arith.constant 0 : i32
    return %arg0, %c0_i32 : i32, i32
  }
  func.func @transform_1(%arg0: i32, %arg1: memref<32xi32, #tpu.memory_space<smem>>, %arg2: memref<32xi32, #tpu.memory_space<smem>>) -> (i32, i32, i32) {
    %get3A = arith.index_cast %arg0 : i32 to index
    %get3A_0 = memref.load %arg1[%get3A] : memref<32xi32, #tpu.memory_space<smem>>
    %c0_i32 = arith.constant 0 : i32
    %c0_i32_1 = arith.constant 0 : i32
    %c0_i32_2 = arith.constant 0 : i32
    return %get3A_0, %c0_i32, %c0_i32_1 : i32, i32, i32
  }
  func.func @transform_2(%arg0: i32, %arg1: memref<32xi32, #tpu.memory_space<smem>>, %arg2: memref<32xi32, #tpu.memory_space<smem>>) -> (i32, i32, i32) {
    %get3A = arith.index_cast %arg0 : i32 to index
    %get3A_0 = memref.load %arg1[%get3A] : memref<32xi32, #tpu.memory_space<smem>>
    %c0_i32 = arith.constant 0 : i32
    %c0_i32_1 = arith.constant 0 : i32
    %c0_i32_2 = arith.constant 0 : i32
    return %get3A_0, %c0_i32, %c0_i32_1 : i32, i32, i32
  }
  func.func @transform_3(%arg0: i32, %arg1: memref<32xi32, #tpu.memory_space<smem>>, %arg2: memref<32xi32, #tpu.memory_space<smem>>) -> (i32, i32) {
    %c0_i32 = arith.constant 0 : i32
    %c0_i32_0 = arith.constant 0 : i32
    return %arg0, %c0_i32 : i32, i32
  }
}

module attributes {stable_mosaic.version = 14 : i64} {
  func.func @_stage_e_body(%arg0: i32, %arg1: memref<512x768xf32, #tpu.memory_space<vmem>>, %arg2: memref<512x1xf32, #tpu.memory_space<vmem>>, %arg3: memref<512x768xf32, #tpu.memory_space<vmem>>, %arg4: memref<512x768xf32, #tpu.memory_space<vmem>>) attributes {dimension_semantics = [#tpu.dimension_semantics<arbitrary>], iteration_bounds = array<i64: 4>, scalar_prefetch = 0 : i64, scratch_operands = 0 : i64, tpu.core_type = #tpu.core_type<tc>, window_params = [{transform_indices = @transform_0, window_bounds = array<i64: 512, 768>}, {transform_indices = @transform_1, window_bounds = array<i64: 512, 1>}, {transform_indices = @transform_2, window_bounds = array<i64: 512, 768>}, {transform_indices = @transform_3, window_bounds = array<i64: 512, 768>}]} {
    %get3A = arith.constant 0 : index
    %get3A_0 = arith.constant 0 : index
    %get3A_1 = vector.load %arg1[%get3A, %get3A_0] : memref<512x768xf32, #tpu.memory_space<vmem>>, vector<512x768xf32>
    %get3A_2 = arith.constant 0 : index
    %get3A_3 = arith.constant 0 : index
    %get3A_4 = vector.load %arg2[%get3A_2, %get3A_3] : memref<512x1xf32, #tpu.memory_space<vmem>>, vector<512x1xf32>
    %get3A_5 = arith.constant 0 : index
    %get3A_6 = arith.constant 0 : index
    %get3A_7 = vector.load %arg3[%get3A_5, %get3A_6] : memref<512x768xf32, #tpu.memory_space<vmem>>, vector<512x768xf32>
    %mul3A = vector.broadcast %get3A_4 : vector<512x1xf32> to vector<512x768xf32>
    %mul3A_8 = arith.mulf %mul3A, %get3A_7 : vector<512x768xf32>
    %add3A = arith.addf %get3A_1, %mul3A_8 : vector<512x768xf32>
    %swap3A = arith.constant 0 : index
    %swap3A_9 = arith.constant 0 : index
    %swap3A_10 = vector.load %arg4[%swap3A, %swap3A_9] : memref<512x768xf32, #tpu.memory_space<vmem>>, vector<512x768xf32>
    tpu.vector_store %arg4[%swap3A, %swap3A_9], %add3A {strides = array<i32>} : memref<512x768xf32, #tpu.memory_space<vmem>>, vector<512x768xf32>,
    return
  }
  func.func @transform_0(%arg0: i32) -> (i32, i32) {
    %c0_i32 = arith.constant 0 : i32
    %c0_i32_0 = arith.constant 0 : i32
    return %arg0, %c0_i32 : i32, i32
  }
  func.func @transform_1(%arg0: i32) -> (i32, i32) {
    %c0_i32 = arith.constant 0 : i32
    %c0_i32_0 = arith.constant 0 : i32
    return %arg0, %c0_i32 : i32, i32
  }
  func.func @transform_2(%arg0: i32) -> (i32, i32) {
    %c0_i32 = arith.constant 0 : i32
    %c0_i32_0 = arith.constant 0 : i32
    return %arg0, %c0_i32 : i32, i32
  }
  func.func @transform_3(%arg0: i32) -> (i32, i32) {
    %c0_i32 = arith.constant 0 : i32
    %c0_i32_0 = arith.constant 0 : i32
    return %arg0, %c0_i32 : i32, i32
  }
}

</mosaic_0001>

<sc_bundles>
// kernel: kernel.11.cloned.1.call-start
scs
__scs_entry_jumppad:
0x0: {  	(pc) =	sbr.rel $0x88, $3  }
0x1: {  	(tag) =	ssettag $0x0;
	lr =	simm.s32 $0x1  }
0x2: {  	[smem:$0x3F94] =	sst lr;
	_ =	strace $0xD0000000  }
0x3: {  	_ = 	snop  }
0x4: {  	_ = 	snop  }
0x5: {  	_ = 	snop  }
0x6: {  	_ = 	snop  }
0x7: {  	_ = 	snop  }
__scs_overlays_trampoline_lowered:
0x8: {  	[smem:$0x3FA3] =	sst s0  }
0x9: {  	[smem:$0x3FA4] =	sst s1  }
0xa: {  	[smem:$0x3FA5] =	sst s2  }
0xb: {  	[smem:$0x3FA6] =	sst s3  }
0xc: {  	[smem:$0x3FA7] =	sst s4  }
0xd: {  	[smem:$0x3FA8] =	sst s5  }
0xe: {  	[smem:$0x3FA9] =	sst s6  }
0xf: {  	[smem:$0x3FAA] =	sst s7  }
0x10: {  	[smem:$0x3FAB] =	sst s8  }
0x11: {  	[smem:$0x3FAC] =	sst s9;
	s0 =	simm.s32 @!p0 $0x0  }
0x12: {  	s1 =	sld [smem:$0x3F92];
	s0 =	simm.s32 @p0 $0x1  }
0x13: {  	[smem:$0x3FAD] =	sst s0;
	s0 =	simm.s32 @!p1 $0x0  }
0x14: {  	s2 =	sld [smem:$0x3F91];
	s0 =	simm.s32 @p1 $0x1  }
0x15: {  	[smem:$0x3FAE] =	sst s0;
	s0 =	simm.s32 @!p2 $0x0  }
0x16: {  	s3 =	sld [smem:$0x3FDB];
	s0 =	simm.s32 @p2 $0x1  }
0x17: {  	s4 =	simm.s32 $0x1BF5;
	[smem:$0x3FB0] =	sst s0  }
0x18: {  	s0 =	sld [smem:$0x3F93];
	_ =	swait.ge [sflag:s4], $0x0  }
0x19: {  	s7 =	sld [smem:$0x3F94]  }
0x1a: {  	s8 =	sadd.s32 $0xFFFFE003, lr  }
0x1b: {  	s9 =	sadd.s32 $0xFFFFFEF7, lr;
	s5 =	simm.s32 $0xFFFFFFFF;
	p2 =	slt.u32 s8, $0xFFFFF086  }
0x1c: {  	p1 =	slt.u32 s9, $0xF7A;
	s5 =	simm.s32 @!p2 $0x0  }
0x1d: {  	s5 =	simm.s32 @p1 $0x1;
	p0 =	seq.s32 s7, s2  }
0x1e: {  	s7 =	smul.u32 @!p0 $0xF7A, s2;
	p2 =	seq.s32 @!p0 s5, $0x0  }
0x1f: {  	s9 =	smul.u32 $0xF7A, s1;
	s8 =	simm.s32 @!p0 $0x1BF5;
	p2 =	por !p2, p0  }
0x20: {  	[sflag:s8] =	ssyncset.s32 @!p0 $0xFFFFF086;
	s6 =	sadd.s32 @!p0 s3, s7;
	s7 =	simm.s32 @!p0 $0x108  }
0x21: {  	s3 =	sadd.s32 s3, s9;
	s6 =	sadd.s32 @!p0 $0x88, s6;
	s7 =	simm.s32 @p2 $0x1082  }
0x22: {  	[simem:s7], [sflag:s8] =	dma.local @!p0 [hbm:s6], $0xF7A  }
0x23: {  	s9 =	sor.u32 $0xD0000000, s2;
	s6 =	simm.s32 $0x108;
	_ =	swait.ge @!p0 [sflag:s8], $0x0  }
0x24: {  	s3 =	sadd.s32 $0x88, s3;
	s6 =	simm.s32 @!p1 $0x1082;
	[sflag:s4] =	ssyncset.s32 $0xFFFFF086  }
0x25: {  	[simem:s6], [sflag:s4] =	dma.local [hbm:s3], $0xF7A  }
0x26: {  	[smem:$0x3F94] =	sst s1;
	(tag) =	ssettag s2;
	_ =	strace s9  }
0x27: {  	s1 =	sld [smem:$0x3FA4]  }
0x28: {  	s2 =	sld [smem:$0x3FA5]  }
0x29: {  	s4 =	sld [smem:$0x3FA7]  }
0x2a: {  	p0 =	seq.s32 s5, $0x0;
	s5 =	sld [smem:$0x3FA8]  }
0x2b: {  	s6 =	sld [smem:$0x3FA9]  }
0x2c: {  	s7 =	sld [smem:$0x3FAA]  }
0x2d: {  	s3 =	simm.s32 $0x108;
	s8 =	sld [smem:$0x3FAB]  }
0x2e: {  	s3 =	simm.s32 @!p0 $0x1082;
	s9 =	sld [smem:$0x3FAC]  }
0x2f: {  	lr =	sadd.s32 s0, s3;
	s0 =	sld [smem:$0x3FA3]  }
0x30: {  	s3 =	sld [smem:$0x3FA6]  }
0x31: {  	[smem:$0x3FAF] =	sst s10  }
0x32: {  	s10 =	sld [smem:$0x3FAD];
	_ =	sdelay $0x3  }
0x33: {  	p0 =	seq.s32 s10, $0x1;
	s10 =	sld [smem:$0x3FAF];
	_ =	sdelay $0x3  }
0x34: {  	[smem:$0x3FAF] =	sst s10  }
0x35: {  	s10 =	sld [smem:$0x3FAE];
	_ =	sdelay $0x3  }
0x36: {  	p1 =	seq.s32 s10, $0x1;
	s10 =	sld [smem:$0x3FAF];
	_ =	sdelay $0x3  }
0x37: {  	[smem:$0x3FAF] =	sst s10  }
0x38: {  	s10 =	sld [smem:$0x3FB0]  }
0x39: {  	_ = 	snop;
	(pc) =	sbr.ind lr, $3  }
0x3a: {  	_ = 	snop  }
0x3b: {  	_ = 	snop  }
0x3c: {  	p2 =	seq.s32 s10, $0x1;
	s10 =	sld [smem:$0x3FAF]  }
0x3d: {  	_ =	shalt  }
0x3e: {  	_ =	shalt  }
0x3f: {  	_ =	shalt  }
0x40: {  	_ =	shalt  }
0x41: {  	_ =	shalt  }
0x42: {  	_ =	shalt  }
0x43: {  	_ =	shalt  }
0x44: {  	_ =	shalt  }
0x45: {  	_ =	shalt  }
0x46: {  	_ =	shalt  }
0x47: {  	_ =	shalt  }
0x48: {  	_ =	shalt  }
0x49: {  	_ =	shalt  }
0x4a: {  	_ =	shalt  }
0x4b: {  	_ =	shalt  }
0x4c: {  	_ =	shalt  }
0x4d: {  	_ =	shalt  }
0x4e: {  	_ =	shalt  }
0x4f: {  	_ =	shalt  }
0x50: {  	_ =	shalt  }
0x51: {  	_ =	shalt  }
0x52: {  	_ =	shalt  }
0x53: {  	_ =	shalt  }
0x54: {  	_ =	shalt  }
0x55: {  	_ =	shalt  }
0x56: {  	_ =	shalt  }
0x57: {  	_ =	shalt  }
0x58: {  	_ =	shalt  }
0x59: {  	_ =	shalt  }
0x5a: {  	_ =	shalt  }
0x5b: {  	_ =	shalt  }
0x5c: {  	_ =	shalt  }
0x5d: {  	_ =	shalt  }
0x5e: {  	_ =	shalt  }
0x5f: {  	_ =	shalt  }
0x60: {  	_ =	shalt  }
0x61: {  	_ =	shalt  }
0x62: {  	_ =	shalt  }
0x63: {  	_ =	shalt  }
0x64: {  	_ =	shalt  }
0x65: {  	_ =	shalt  }
0x66: {  	_ =	shalt  }
0x67: {  	_ =	shalt  }
0x68: {  	_ =	shalt  }
0x69: {  	_ =	shalt  }
0x6a: {  	_ =	shalt  }
0x6b: {  	_ =	shalt  }
0x6c: {  	_ =	shalt  }
0x6d: {  	_ =	shalt  }
0x6e: {  	_ =	shalt  }
0x6f: {  	_ =	shalt  }
0x70: {  	_ =	shalt  }
0x71: {  	_ =	shalt  }
0x72: {  	_ =	shalt  }
0x73: {  	_ =	shalt  }
0x74: {  	_ =	shalt  }
0x75: {  	_ =	shalt  }
0x76: {  	_ =	shalt  }
0x77: {  	_ =	shalt  }
0x78: {  	_ =	shalt  }
0x79: {  	_ =	shalt  }
0x7a: {  	_ =	shalt  }
0x7b: {  	_ =	shalt  }
0x7c: {  	_ =	shalt  }
0x7d: {  	_ =	shalt  }
0x7e: {  	_ =	shalt  }
0x7f: {  	_ =	shalt  }
0x80: {  	_ =	shalt  }
0x81: {  	_ =	shalt  }
0x82: {  	_ =	shalt  }
0x83: {  	_ =	shalt  }
0x84: {  	_ =	shalt  }
0x85: {  	_ =	shalt  }
0x86: {  	_ =	shalt  }
0x87: {  	_ =	shalt  }
.Lfunc_end0:
.L_simem_size_0:
called_computation_lowered:
.L_overlay_start_0:
0x88: {  	s2 =	sld [smem:$0x3FD9]  }
0x89: {  	s3 =	sld [smem:$0x3FFE];
	_ =	sdelay $0x1  }
0x8a: {  	s1 =	srdreg.scid  }
0x8b: {  	s0 =	sand.u32 $0x1, s1  }
0x8c: {  	s17 =	sshll.u32 s0, $0xA;
	s2 =	sadd.s32 s3, s2  }
0x8d: {  	s2 =	sadd.s32 s2, s17  }
0x8e: {  	[smem:$0x3FBB] =	sst s2  }
0x8f: {  	_ = 	snop  }
0x90: {  	s2 =	sld [smem:$0x3FD0];
	(tm) =	ssettm $0x1  }
0x91: {  	s18 =	sld [smem:$0x3FFB];
	_ =	sdelay $0x3  }
0x92: {  	_ =	strace s18  }
0x93: {  	s3 =	sld [smem:$0x3FFC];
	_ =	sdelay $0x3  }
0x94: {  	_ =	strace s3  }
0x95: {  	s3 =	sld [smem:$0x3FFD];
	_ =	sdelay $0x3  }
0x96: {  	_ =	strace s3  }
0x97: {  	_ =	strace $0x8FFFFFFF  }
0x98: {  	s19 =	sld [smem:$0x3FDB];
	_ =	sdelay $0x1  }
0x99: {  	s4 =	simm.s32 $_scs_section_size  }
0x9a: {  	s5 =	simm.s32 $_size__tile_overlayer_lowered;
	s6 =	simm.s32 $_tile_overlayer_lowered  }
0x9b: {  	s22 =	simm.s32 $0x1BFF;
	s21 =	sshll.u32 s6, $0x1;
	s3 =	sadd.s32 s4, s19  }
0x9c: {  	s7 =	simm.s32 $0x0;
	s20 =	sshll.u32 s5, $0x1;
	s5 =	sadd.s32 s21, s3  }
0x9d: {  	[timem:s7], [sflag:s22] =	dma.local [hbm:s5], s20  }
0x9e: {  	_ =	swait.ge [sflag:s22], s20  }
0x9f: {  	s4 =	ssub.s32 $0x0, s20;
	[sflag:s22] =	ssyncset.done $0x0  }
0xa0: {  	[sflag:s22] =	ssyncadd.s32 s4;
	_ =	sdelay $0x1  }
0xa1: {  	s23 =	simm.s32 $0x1B8B  }
0xa2: {  	_ =	swait.ge [sflag:s23], $0x1  }
0xa3: {  	[sflag:s23] =	ssyncset.done $0x0  }
0xa4: {  	s25 =	simm.s32 $0x1B8E;
	s24 =	sld [smem:$0x3FFE];
	[sflag:s23] =	ssyncadd.s32 $0xFFFFFFFF  }
0xa5: {  	s26 =	simm.s32 $execute0_lowered;
	[smem:$0x3FD2] =	sst s25  }
0xa6: {  	s5 =	sshll.u32 s26, $0x1;
	_ =	strace $0x80000046;
	[dreg:$0x1] =	wrdreg $0xFFFFFFFF  }
0xa7: {  	s28 =	simm.s32 $_size_execute0_lowered;
	s3 =	sadd.s32 s3, s5;
	[dreg:$0x0] =	wrdreg $0x0  }
0xa8: {  	s5 =	sshll.u32 s28, $0x1;
	[dreg:$0x2] =	wrdreg s3  }
0xa9: {  	[dreg:$0x3] =	wrdreg s5  }
0xaa: {  	[dreg:$0x4] =	wrdreg $0xC0  }
0xab: {  	_ =	task [dreg:s7], $0x5FFFF  }
0xac: {  	[dreg:$0x1] =	wrdreg $0xFFFFFFFF  }
0xad: {  	[dreg:$0x0] =	wrdreg $0x60  }
0xae: {  	[dreg:$0x2] =	wrdreg s2  }
0xaf: {  	[dreg:$0x3] =	wrdreg s24  }
0xb0: {  	[dreg:$0x4] =	wrdreg $0x9  }
0xb1: {  	_ =	task.clear_ibuf [dreg:s7], $0x5FFFF;
	_ =	strace $0x90000046  }
0xb2: {  	s29 =	simm.s32 $0x9;
	_ =	strace $0x80000048  }
0xb3: {  	_ =	swait.ge [sflag:s29], $0x1  }
0xb4: {  	[sflag:s29] =	ssyncadd.s32 $0xFFFFFFFF  }
0xb5: {  	_ =	strace $0x90000048  }
0xb6: {  	_ =	sfence  }
0xb7: {  	s30 =	sld [smem:$0x0];
	_ =	sdelay $0x2  }
0xb8: {  	s31 =	sshll.u32 s1, $0xD;
	s1 =	sshrl.u32 s1, $0x2  }
0xb9: {  	s3 =	sand.u32 $0x4000, s31;
	s1 =	sadd.s32 s1, s30  }
0xba: {  	s0 =	sor.u32 s3, s0;
	s1 =	sshll.u32 s1, $0x11  }
0xbb: {  	s0 =	sor.u32 s1, s0  }
0xbc: {  	s0 =	sadd.s32 $0x8F2B, s0  }
0xbd: {  	[sflag:s0] =	ssyncadd.remote.s32 $0x1  }
0xbe: {  	_ =	sfence.sel $0xFFFF  }
0xbf: {  	[dreg:$0x0] =	wrdreg $0xFFFFFFFF;
	(pc) =	sbr.abs _section_cstart, $3  }
0xc0: {  	[dreg:$0x1] =	wrdreg $0xFFFFFFFF  }
0xc1: {  	_ =	task.clear_ibuf [dreg:s7], $0x2FFFF;
	_ =	strace $0x9FFFFFFF  }
0xc2: {  	(tm) =	ssettm $0x7FFFFFFF  }
0xc3: {  	_ =	shalt  }
tec
execute0_lowered:
.L_overlay_start_1:
0x0: {  	(tag) =	ssettag $0x1  }
0x1: {  	s1 =	srdreg.scid  }
0x2: {  	s0 =	stileid.u32;
	s3 =	rddreg [dreg:$0x0]  }
0x3: {  	s5 =	rddreg [dreg:$0x1];
	s8 =	simm.s32 $0x80;
	s26 =	simm.s32 $0x880  }
0x4: {  	s9 =	simm.s32 $0x1080;
	s10 =	simm.s32 $0x1880;
	s11 =	simm.s32 $0x2080  }
0x5: {  	s12 =	simm.s32 $0x2880;
	s13 =	simm.s32 $0x3080;
	s14 =	simm.s32 $0x3880  }
0x6: {  	s15 =	simm.s32 $0x4080;
	s16 =	simm.s32 $0x4880;
	s17 =	simm.s32 $0x5080  }
0x7: {  	s18 =	simm.s32 $0x5880;
	s19 =	simm.s32 $0x6080;
	s20 =	simm.s32 $0x6880  }
0x8: {  	s21 =	simm.s32 $0x7080;
	s22 =	simm.s32 $0x7880;
	s23 =	simm.s32 $0x8080  }
0x9: {  	s24 =	simm.s32 $0x8880;
	s25 =	simm.s32 $0x9080;
	s28 =	simm.s32 $0xA080  }
0xa: {  	s29 =	simm.s32 $0xA880;
	s1 =	sand.u32 $0x1, s1;
	s2 =	sshll.u32 s0, $0x1  }
0xb: {  	s30 =	simm.s32 $0xB080;
	s31 =	simm.s32 $0xB880;
	s4 =	sor.u32 s1, s2  }
0xc: {  	s2 =	simm.s32 $0x0;
	s1 =	ssub.s32 $0x2, s1;
	s6 =	sshll.u32 s4, $0x4  }
0xd: {  	[smem:$0x7FF] =	sst s2;
	s4 =	smul.u32 $0x1800, s4;
	s7 =	sshrl.u32 s1, $0x1  }
0xe: {  	s6 =	sadd.s32 s6, s5;
	_ =	strace $0x80000047;
	s1 =	ssub.s32 s1, s7  }
0xf: {  	s7 =	simm.s32 $0x2;
	[dreg:$0x5] =	wrdreg s26;
	s6 =	sadd.s32 $0x1C00, s6  }
0x10: {  	v2 =	vlaneseq.u32;
	s26 =	simm.s32 $0x9880;
	s4 =	sadd.s32 s3, s4;
	[dreg:$0x3] =	wrdreg s6  }
0x11: {  	vm0 =	vmmov $0xffff;
	v1 =	vshrl.u32 v2, $0x3;
	s3 =	sadd.s32 $0x1E00, s5;
	[dreg:$0x4] =	wrdreg s4;
	s4 =	sadd.s32 $0x1F00, s5  }
0x12: {  	v0 =	vand.u32 $0x7, v2;
	v2 =	vor.u32 $0x8, v2;
	v1 =	vmul.u32 $0x8, v1;
	s5 =	sadd.s32 $0x2000, s5;
	s6 =	smax.u32 s1, $0x1;
	s1 =	simm.s32 $0x1  }
.LBB2_1:
0x13: {  	s0 =	rddreg [dreg:$0x3]  }
0x14: {  	[tilespmem:s2], [sflag:$0x2] =	stream.linear.gather [hbm4b:s0+s2], $0x80, $0x38;
	[tilespmem:$0xC080] =	vst v63  }
0x15: {  	_ =	swait.ge [sflag:s7], $0x80  }
0x16: {  	[sflag:s7] =	ssyncset.done $0x0  }
0x17: {  	s0 =	rddreg [dreg:$0x4];
	[sflag:s7] =	ssyncadd.s32 $0xFFFFFF80  }
0x18: {  	[tilespmem:s8], [sflag:$0x2] =	stream.linear.gather [hbm4b:s0+s2], $0xC000, $0x38;
	[tilespmem:$0xC080] =	vst v63  }
0x19: {  	_ =	swait.ge [sflag:s7], $0xC000  }
0x1a: {  	[sflag:s7] =	ssyncset.done $0x0  }
0x1b: {  	[sflag:s7] =	ssyncadd.s32 $0xFFFF4000  }
0x1c: {  	v3 =	vld [tilespmem:$0x0];
	_ =	sdelay $0x4  }
0x1d: {  	v4 =	vshrl.u32 v3, $0x3  }
0x1e: {  	v4 =	vmul.u32 $0x30, v4  }
0x1f: {  	v3 =	vand.u32 $0x7, v3  }
0x20: {  	v3 =	vor.u32 v3, v4  }
0x21: {  	v4 =	vperm.xlane v3, v0;
	_ =	sdelay $0x1  }
0x22: {  	v4 =	vadd.s32 v1, v4;
	_ =	sdelay $0x3  }
0x23: {  	v3 =	vperm.xlane v3, v2  }
0x24: {  	[hbm4b:s3+s2] =	stream.indirect_vreg.scatter [tilespmem:s8], [sflag:$0x1], $0x80, v4, vm0, $0xb8;
	[tilespmem:$0xC080] =	vst v63  }
0x25: {  	s0 =	rddreg [dreg:$0x5];
	v3 =	vadd.s32 v1, v3  }
0x26: {  	[hbm4b:s4+s2] =	stream.indirect_vreg.scatter [tilespmem:s0], [sflag:$0x1], $0x80, v4, vm0, $0xb8;
	[tilespmem:$0xC080] =	vst v63  }
0x27: {  	_ = 	snop  }
0x28: {  	[hbm4b:s5+s2] =	stream.indirect_vreg.scatter [tilespmem:s9], [sflag:$0x1], $0x80, v4, vm0, $0xb8;
	[tilespmem:$0xC080] =	vst v63  }
0x29: {  	_ = 	snop  }
0x2a: {  	[hbm4b:s3+s2] =	stream.indirect_vreg.scatter [tilespmem:s10], [sflag:$0x1], $0x80, v3, vm0, $0xb8;
	[tilespmem:$0xC080] =	vst v63  }
0x2b: {  	_ = 	snop  }
0x2c: {  	[hbm4b:s4+s2] =	stream.indirect_vreg.scatter [tilespmem:s11], [sflag:$0x1], $0x80, v3, vm0, $0xb8;
	[tilespmem:$0xC080] =	vst v63  }
0x2d: {  	_ = 	snop  }
0x2e: {  	[hbm4b:s5+s2] =	stream.indirect_vreg.scatter [tilespmem:s12], [sflag:$0x1], $0x80, v3, vm0, $0xb8;
	[tilespmem:$0xC080] =	vst v63  }
0x2f: {  	v3 =	vld [tilespmem:$0x10];
	_ =	sdelay $0x4  }
0x30: {  	v61 =	vshrl.u32 v3, $0x3  }
0x31: {  	v4 =	vmul.u32 $0x30, v61  }
0x32: {  	v3 =	vand.u32 $0x7, v3  }
0x33: {  	v3 =	vor.u32 v3, v4  }
0x34: {  	v4 =	vperm.xlane v3, v0;
	_ =	sdelay $0x1  }
0x35: {  	v4 =	vadd.s32 v1, v4;
	_ =	sdelay $0x3  }
0x36: {  	v3 =	vperm.xlane v3, v2  }
0x37: {  	[hbm4b:s3+s2] =	stream.indirect_vreg.scatter [tilespmem:s13], [sflag:$0x1], $0x80, v4, vm0, $0xb8;
	[tilespmem:$0xC080] =	vst v63  }
0x38: {  	v3 =	vadd.s32 v1, v3  }
0x39: {  	[hbm4b:s4+s2] =	stream.indirect_vreg.scatter [tilespmem:s14], [sflag:$0x1], $0x80, v4, vm0, $0xb8;
	[tilespmem:$0xC080] =	vst v63  }
0x3a: {  	_ = 	snop  }
0x3b: {  	[hbm4b:s5+s2] =	stream.indirect_vreg.scatter [tilespmem:s15], [sflag:$0x1], $0x80, v4, vm0, $0xb8;
	[tilespmem:$0xC080] =	vst v63  }
0x3c: {  	_ = 	snop  }
0x3d: {  	[hbm4b:s3+s2] =	stream.indirect_vreg.scatter [tilespmem:s16], [sflag:$0x1], $0x80, v3, vm0, $0xb8;
	[tilespmem:$0xC080] =	vst v63  }
0x3e: {  	_ = 	snop  }
0x3f: {  	[hbm4b:s4+s2] =	stream.indirect_vreg.scatter [tilespmem:s17], [sflag:$0x1], $0x80, v3, vm0, $0xb8;
	[tilespmem:$0xC080] =	vst v63  }
0x40: {  	_ = 	snop  }
0x41: {  	[hbm4b:s5+s2] =	stream.indirect_vreg.scatter [tilespmem:s18], [sflag:$0x1], $0x80, v3, vm0, $0xb8;
	[tilespmem:$0xC080] =	vst v63  }
0x42: {  	v3 =	vld [tilespmem:$0x20];
	_ =	sdelay $0x4  }
0x43: {  	v62 =	vshrl.u32 v3, $0x3  }
0x44: {  	v4 =	vmul.u32 $0x30, v62  }
0x45: {  	v3 =	vand.u32 $0x7, v3  }
0x46: {  	v3 =	vor.u32 v3, v4  }
0x47: {  	v4 =	vperm.xlane v3, v0;
	_ =	sdelay $0x1  }
0x48: {  	v4 =	vadd.s32 v1, v4;
	_ =	sdelay $0x3  }
0x49: {  	v3 =	vperm.xlane v3, v2  }
0x4a: {  	[hbm4b:s3+s2] =	stream.indirect_vreg.scatter [tilespmem:s19], [sflag:$0x1], $0x80, v4, vm0, $0xb8;
	[tilespmem:$0xC080] =	vst v63  }
0x4b: {  	v3 =	vadd.s32 v1, v3  }
0x4c: {  	[hbm4b:s4+s2] =	stream.indirect_vreg.scatter [tilespmem:s20], [sflag:$0x1], $0x80, v4, vm0, $0xb8;
	[tilespmem:$0xC080] =	vst v63  }
0x4d: {  	_ = 	snop  }
0x4e: {  	[hbm4b:s5+s2] =	stream.indirect_vreg.scatter [tilespmem:s21], [sflag:$0x1], $0x80, v4, vm0, $0xb8;
	[tilespmem:$0xC080] =	vst v63  }
0x4f: {  	_ = 	snop  }
0x50: {  	[hbm4b:s3+s2] =	stream.indirect_vreg.scatter [tilespmem:s22], [sflag:$0x1], $0x80, v3, vm0, $0xb8;
	[tilespmem:$0xC080] =	vst v63  }
0x51: {  	_ = 	snop  }
0x52: {  	[hbm4b:s4+s2] =	stream.indirect_vreg.scatter [tilespmem:s23], [sflag:$0x1], $0x80, v3, vm0, $0xb8;
	[tilespmem:$0xC080] =	vst v63  }
0x53: {  	_ = 	snop  }
0x54: {  	[hbm4b:s5+s2] =	stream.indirect_vreg.scatter [tilespmem:s24], [sflag:$0x1], $0x80, v3, vm0, $0xb8;
	[tilespmem:$0xC080] =	vst v63  }
0x55: {  	v3 =	vld [tilespmem:$0x30];
	_ =	sdelay $0x4  }
0x56: {  	v63 =	vshrl.u32 v3, $0x3  }
0x57: {  	v4 =	vmul.u32 $0x30, v63  }
0x58: {  	v3 =	vand.u32 $0x7, v3  }
0x59: {  	v3 =	vor.u32 v3, v4  }
0x5a: {  	v4 =	vperm.xlane v3, v0;
	_ =	sdelay $0x1  }
0x5b: {  	v4 =	vadd.s32 v1, v4;
	_ =	sdelay $0x3  }
0x5c: {  	v3 =	vperm.xlane v3, v2  }
0x5d: {  	[hbm4b:s3+s2] =	stream.indirect_vreg.scatter [tilespmem:s25], [sflag:$0x1], $0x80, v4, vm0, $0xb8;
	[tilespmem:$0xC080] =	vst v63  }
0x5e: {  	v3 =	vadd.s32 v1, v3  }
0x5f: {  	[hbm4b:s4+s2] =	stream.indirect_vreg.scatter [tilespmem:s26], [sflag:$0x1], $0x80, v4, vm0, $0xb8;
	[tilespmem:$0xC080] =	vst v63  }
0x60: {  	_ = 	snop  }
0x61: {  	[hbm4b:s5+s2] =	stream.indirect_vreg.scatter [tilespmem:s28], [sflag:$0x1], $0x80, v4, vm0, $0xb8;
	[tilespmem:$0xC080] =	vst v63  }
0x62: {  	_ = 	snop  }
0x63: {  	[hbm4b:s3+s2] =	stream.indirect_vreg.scatter [tilespmem:s29], [sflag:$0x1], $0x80, v3, vm0, $0xb8;
	[tilespmem:$0xC080] =	vst v63  }
0x64: {  	p0 =	sne.s32 s6, $0x1  }
0x65: {  	[hbm4b:s4+s2] =	stream.indirect_vreg.scatter [tilespmem:s30], [sflag:$0x1], $0x80, v3, vm0, $0xb8;
	[tilespmem:$0xC080] =	vst v63  }
.Ltmp0:
0x66: {  	_ = 	snop;
	(pc) =	sbr.rel @p0 .LBB2_1-.Ltmp0, $4  }
0x67: {  	[hbm4b:s5+s2] =	stream.indirect_vreg.scatter [tilespmem:s31], [sflag:$0x1], $0x80, v3, vm0, $0xb8;
	[tilespmem:$0xC080] =	vst v63  }
0x68: {  	_ =	swait.ge [sflag:s1], $0xC000  }
0x69: {  	[sflag:s1] =	ssyncset.done $0x0  }
0x6a: {  	s6 =	sadd.s32 $0xFFFFFFFF, s6;
	[sflag:s1] =	ssyncadd.s32 $0xFFFF4000  }
0x6b: {  	_ =	sfence.sel $0x180000  }
0x6c: {  	[bflag:$0x0] =	sbarrier.arrive $0xFFFF  }
0x6d: {  	_ =	strace $0x90000047  }
0x6e: {  	s0 =	stileid.u32;
	[bflag:$0x2] =	sbarrier.arrive $0xFFFF  }
0x6f: {  	p0 =	sne.s32 s0, $0x0;
	s0 =	rddreg [dreg:$0x2]  }
0x70: {  	s0 =	sadd.s32 @!p0 $0x100000, s0  }
0x71: {  	[sflag:s0] =	ssyncadd.tile.s32 @!p0 $0x1;
	_ =	shalt  }
.Lfunc_end2:
_tile_overlayer_lowered:
.L_overlay_start_2:
0x72: {  	(tag) =	ssettag $0x2  }
0x73: {  	s0 =	rddreg [dreg:$0x0];
	s2 =	stileid.u32  }
0x74: {  	s1 =	rddreg [dreg:$0x1];
	p0 =	sne.s32 s2, $0x0  }
0x75: {  	s3 =	rddreg [dreg:$0x2];
	[bflag:$0x3] =	sbarrier.arrive $0xFFFF;
	s2 =	simm.s32 @!p0 $0x1C02  }
0x76: {  	[timem:s3], [sflag:s2] =	dma.local @!p0 [hbm:s0], s1  }
0x77: {  	s0 =	simm.s32 @!p0 $0x2  }
0x78: {  	_ =	swait.ge @!p0 [sflag:s0], s1  }
0x79: {  	s1 =	ssub.s32 @!p0 $0x0, s1;
	[sflag:s0] =	ssyncset.done @!p0 $0x0  }
0x7a: {  	[sflag:s0] =	ssyncadd.s32 @!p0 s1  }
0x7b: {  	[bflag:$0x3] =	sbarrier.arrive $0xFFFF  }
0x7c: {  	_ =	shalt  }

// kernel: kernel.14.cloned.1.call-start
scs
__scs_entry_jumppad:
0x0: {  	(pc) =	sbr.rel $0x88, $3  }
0x1: {  	(tag) =	ssettag $0x0;
	lr =	simm.s32 $0x1  }
0x2: {  	[smem:$0x3F94] =	sst lr;
	_ =	strace $0xD0000000  }
0x3: {  	_ = 	snop  }
0x4: {  	_ = 	snop  }
0x5: {  	_ = 	snop  }
0x6: {  	_ = 	snop  }
0x7: {  	_ = 	snop  }
__scs_overlays_trampoline_lowered:
0x8: {  	[smem:$0x3FA3] =	sst s0  }
0x9: {  	[smem:$0x3FA4] =	sst s1  }
0xa: {  	[smem:$0x3FA5] =	sst s2  }
0xb: {  	[smem:$0x3FA6] =	sst s3  }
0xc: {  	[smem:$0x3FA7] =	sst s4  }
0xd: {  	[smem:$0x3FA8] =	sst s5  }
0xe: {  	[smem:$0x3FA9] =	sst s6  }
0xf: {  	[smem:$0x3FAA] =	sst s7  }
0x10: {  	[smem:$0x3FAB] =	sst s8  }
0x11: {  	[smem:$0x3FAC] =	sst s9;
	s0 =	simm.s32 @!p0 $0x0  }
0x12: {  	s1 =	sld [smem:$0x3F92];
	s0 =	simm.s32 @p0 $0x1  }
0x13: {  	[smem:$0x3FAD] =	sst s0;
	s0 =	simm.s32 @!p1 $0x0  }
0x14: {  	s2 =	sld [smem:$0x3F91];
	s0 =	simm.s32 @p1 $0x1  }
0x15: {  	[smem:$0x3FAE] =	sst s0;
	s0 =	simm.s32 @!p2 $0x0  }
0x16: {  	s3 =	sld [smem:$0x3FDB];
	s0 =	simm.s32 @p2 $0x1  }
0x17: {  	s4 =	simm.s32 $0x1BF5;
	[smem:$0x3FB0] =	sst s0  }
0x18: {  	s0 =	sld [smem:$0x3F93];
	_ =	swait.ge [sflag:s4], $0x0  }
0x19: {  	s7 =	sld [smem:$0x3F94]  }
0x1a: {  	s8 =	sadd.s32 $0xFFFFE003, lr  }
0x1b: {  	s9 =	sadd.s32 $0xFFFFFEF7, lr;
	s5 =	simm.s32 $0xFFFFFFFF;
	p2 =	slt.u32 s8, $0xFFFFF086  }
0x1c: {  	p1 =	slt.u32 s9, $0xF7A;
	s5 =	simm.s32 @!p2 $0x0  }
0x1d: {  	s5 =	simm.s32 @p1 $0x1;
	p0 =	seq.s32 s7, s2  }
0x1e: {  	s7 =	smul.u32 @!p0 $0xF7A, s2;
	p2 =	seq.s32 @!p0 s5, $0x0  }
0x1f: {  	s9 =	smul.u32 $0xF7A, s1;
	s8 =	simm.s32 @!p0 $0x1BF5;
	p2 =	por !p2, p0  }
0x20: {  	[sflag:s8] =	ssyncset.s32 @!p0 $0xFFFFF086;
	s6 =	sadd.s32 @!p0 s3, s7;
	s7 =	simm.s32 @!p0 $0x108  }
0x21: {  	s3 =	sadd.s32 s3, s9;
	s6 =	sadd.s32 @!p0 $0x88, s6;
	s7 =	simm.s32 @p2 $0x1082  }
0x22: {  	[simem:s7], [sflag:s8] =	dma.local @!p0 [hbm:s6], $0xF7A  }
0x23: {  	s9 =	sor.u32 $0xD0000000, s2;
	s6 =	simm.s32 $0x108;
	_ =	swait.ge @!p0 [sflag:s8], $0x0  }
0x24: {  	s3 =	sadd.s32 $0x88, s3;
	s6 =	simm.s32 @!p1 $0x1082;
	[sflag:s4] =	ssyncset.s32 $0xFFFFF086  }
0x25: {  	[simem:s6], [sflag:s4] =	dma.local [hbm:s3], $0xF7A  }
0x26: {  	[smem:$0x3F94] =	sst s1;
	(tag) =	ssettag s2;
	_ =	strace s9  }
0x27: {  	s1 =	sld [smem:$0x3FA4]  }
0x28: {  	s2 =	sld [smem:$0x3FA5]  }
0x29: {  	s4 =	sld [smem:$0x3FA7]  }
0x2a: {  	p0 =	seq.s32 s5, $0x0;
	s5 =	sld [smem:$0x3FA8]  }
0x2b: {  	s6 =	sld [smem:$0x3FA9]  }
0x2c: {  	s7 =	sld [smem:$0x3FAA]  }
0x2d: {  	s3 =	simm.s32 $0x108;
	s8 =	sld [smem:$0x3FAB]  }
0x2e: {  	s3 =	simm.s32 @!p0 $0x1082;
	s9 =	sld [smem:$0x3FAC]  }
0x2f: {  	lr =	sadd.s32 s0, s3;
	s0 =	sld [smem:$0x3FA3]  }
0x30: {  	s3 =	sld [smem:$0x3FA6]  }
0x31: {  	[smem:$0x3FAF] =	sst s10  }
0x32: {  	s10 =	sld [smem:$0x3FAD];
	_ =	sdelay $0x3  }
0x33: {  	p0 =	seq.s32 s10, $0x1;
	s10 =	sld [smem:$0x3FAF];
	_ =	sdelay $0x3  }
0x34: {  	[smem:$0x3FAF] =	sst s10  }
0x35: {  	s10 =	sld [smem:$0x3FAE];
	_ =	sdelay $0x3  }
0x36: {  	p1 =	seq.s32 s10, $0x1;
	s10 =	sld [smem:$0x3FAF];
	_ =	sdelay $0x3  }
0x37: {  	[smem:$0x3FAF] =	sst s10  }
0x38: {  	s10 =	sld [smem:$0x3FB0]  }
0x39: {  	_ = 	snop;
	(pc) =	sbr.ind lr, $3  }
0x3a: {  	_ = 	snop  }
0x3b: {  	_ = 	snop  }
0x3c: {  	p2 =	seq.s32 s10, $0x1;
	s10 =	sld [smem:$0x3FAF]  }
0x3d: {  	_ =	shalt  }
0x3e: {  	_ =	shalt  }
0x3f: {  	_ =	shalt  }
0x40: {  	_ =	shalt  }
0x41: {  	_ =	shalt  }
0x42: {  	_ =	shalt  }
0x43: {  	_ =	shalt  }
0x44: {  	_ =	shalt  }
0x45: {  	_ =	shalt  }
0x46: {  	_ =	shalt  }
0x47: {  	_ =	shalt  }
0x48: {  	_ =	shalt  }
0x49: {  	_ =	shalt  }
0x4a: {  	_ =	shalt  }
0x4b: {  	_ =	shalt  }
0x4c: {  	_ =	shalt  }
0x4d: {  	_ =	shalt  }
0x4e: {  	_ =	shalt  }
0x4f: {  	_ =	shalt  }
0x50: {  	_ =	shalt  }
0x51: {  	_ =	shalt  }
0x52: {  	_ =	shalt  }
0x53: {  	_ =	shalt  }
0x54: {  	_ =	shalt  }
0x55: {  	_ =	shalt  }
0x56: {  	_ =	shalt  }
0x57: {  	_ =	shalt  }
0x58: {  	_ =	shalt  }
0x59: {  	_ =	shalt  }
0x5a: {  	_ =	shalt  }
0x5b: {  	_ =	shalt  }
0x5c: {  	_ =	shalt  }
0x5d: {  	_ =	shalt  }
0x5e: {  	_ =	shalt  }
0x5f: {  	_ =	shalt  }
0x60: {  	_ =	shalt  }
0x61: {  	_ =	shalt  }
0x62: {  	_ =	shalt  }
0x63: {  	_ =	shalt  }
0x64: {  	_ =	shalt  }
0x65: {  	_ =	shalt  }
0x66: {  	_ =	shalt  }
0x67: {  	_ =	shalt  }
0x68: {  	_ =	shalt  }
0x69: {  	_ =	shalt  }
0x6a: {  	_ =	shalt  }
0x6b: {  	_ =	shalt  }
0x6c: {  	_ =	shalt  }
0x6d: {  	_ =	shalt  }
0x6e: {  	_ =	shalt  }
0x6f: {  	_ =	shalt  }
0x70: {  	_ =	shalt  }
0x71: {  	_ =	shalt  }
0x72: {  	_ =	shalt  }
0x73: {  	_ =	shalt  }
0x74: {  	_ =	shalt  }
0x75: {  	_ =	shalt  }
0x76: {  	_ =	shalt  }
0x77: {  	_ =	shalt  }
0x78: {  	_ =	shalt  }
0x79: {  	_ =	shalt  }
0x7a: {  	_ =	shalt  }
0x7b: {  	_ =	shalt  }
0x7c: {  	_ =	shalt  }
0x7d: {  	_ =	shalt  }
0x7e: {  	_ =	shalt  }
0x7f: {  	_ =	shalt  }
0x80: {  	_ =	shalt  }
0x81: {  	_ =	shalt  }
0x82: {  	_ =	shalt  }
0x83: {  	_ =	shalt  }
0x84: {  	_ =	shalt  }
0x85: {  	_ =	shalt  }
0x86: {  	_ =	shalt  }
0x87: {  	_ =	shalt  }
.Lfunc_end0:
.L_simem_size_0:
called_computation.1_lowered:
.L_overlay_start_0:
0x88: {  	s2 =	sld [smem:$0x3FD9]  }
0x89: {  	s3 =	sld [smem:$0x3FFE];
	_ =	sdelay $0x1  }
0x8a: {  	s1 =	srdreg.scid  }
0x8b: {  	s0 =	sand.u32 $0x1, s1  }
0x8c: {  	s17 =	sshll.u32 s0, $0xA;
	s2 =	sadd.s32 s3, s2  }
0x8d: {  	s2 =	sadd.s32 s2, s17  }
0x8e: {  	[smem:$0x3FBB] =	sst s2  }
0x8f: {  	_ = 	snop  }
0x90: {  	s2 =	sld [smem:$0x3FD0];
	(tm) =	ssettm $0x1  }
0x91: {  	s18 =	sld [smem:$0x3FFB];
	_ =	sdelay $0x3  }
0x92: {  	_ =	strace s18  }
0x93: {  	s3 =	sld [smem:$0x3FFC];
	_ =	sdelay $0x3  }
0x94: {  	_ =	strace s3  }
0x95: {  	s3 =	sld [smem:$0x3FFD];
	_ =	sdelay $0x3  }
0x96: {  	_ =	strace s3  }
0x97: {  	_ =	strace $0x8FFFFFFF  }
0x98: {  	s19 =	sld [smem:$0x3FDB];
	_ =	sdelay $0x1  }
0x99: {  	s4 =	simm.s32 $_scs_section_size  }
0x9a: {  	s5 =	simm.s32 $_size__tile_overlayer_lowered;
	s6 =	simm.s32 $_tile_overlayer_lowered  }
0x9b: {  	s22 =	simm.s32 $0x1BFF;
	s21 =	sshll.u32 s6, $0x1;
	s3 =	sadd.s32 s4, s19  }
0x9c: {  	s7 =	simm.s32 $0x0;
	s20 =	sshll.u32 s5, $0x1;
	s5 =	sadd.s32 s21, s3  }
0x9d: {  	[timem:s7], [sflag:s22] =	dma.local [hbm:s5], s20  }
0x9e: {  	_ =	swait.ge [sflag:s22], s20  }
0x9f: {  	s4 =	ssub.s32 $0x0, s20;
	[sflag:s22] =	ssyncset.done $0x0  }
0xa0: {  	[sflag:s22] =	ssyncadd.s32 s4;
	_ =	sdelay $0x1  }
0xa1: {  	s23 =	simm.s32 $0x1B8B  }
0xa2: {  	_ =	swait.ge [sflag:s23], $0x1  }
0xa3: {  	[sflag:s23] =	ssyncset.done $0x0  }
0xa4: {  	s25 =	simm.s32 $0x1B8E;
	s24 =	sld [smem:$0x3FFE];
	[sflag:s23] =	ssyncadd.s32 $0xFFFFFFFF  }
0xa5: {  	s26 =	simm.s32 $execute0_lowered;
	[smem:$0x3FD2] =	sst s25  }
0xa6: {  	s5 =	sshll.u32 s26, $0x1;
	_ =	strace $0x80000049;
	[dreg:$0x1] =	wrdreg $0xFFFFFFFF  }
0xa7: {  	s28 =	simm.s32 $_size_execute0_lowered;
	s3 =	sadd.s32 s3, s5;
	[dreg:$0x0] =	wrdreg $0x0  }
0xa8: {  	s5 =	sshll.u32 s28, $0x1;
	[dreg:$0x2] =	wrdreg s3  }
0xa9: {  	[dreg:$0x3] =	wrdreg s5  }
0xaa: {  	[dreg:$0x4] =	wrdreg $0xC0  }
0xab: {  	_ =	task [dreg:s7], $0x5FFFF  }
0xac: {  	[dreg:$0x1] =	wrdreg $0xFFFFFFFF  }
0xad: {  	[dreg:$0x0] =	wrdreg $0x60  }
0xae: {  	[dreg:$0x2] =	wrdreg s24  }
0xaf: {  	[dreg:$0x3] =	wrdreg s2  }
0xb0: {  	[dreg:$0x4] =	wrdreg $0x9  }
0xb1: {  	_ =	task.clear_ibuf [dreg:s7], $0x5FFFF;
	_ =	strace $0x90000049  }
0xb2: {  	s29 =	simm.s32 $0x9;
	_ =	strace $0x8000004B  }
0xb3: {  	_ =	swait.ge [sflag:s29], $0x1  }
0xb4: {  	[sflag:s29] =	ssyncadd.s32 $0xFFFFFFFF  }
0xb5: {  	_ =	strace $0x9000004B  }
0xb6: {  	_ =	sfence  }
0xb7: {  	s30 =	sld [smem:$0x0];
	_ =	sdelay $0x2  }
0xb8: {  	s31 =	sshll.u32 s1, $0xD;
	s1 =	sshrl.u32 s1, $0x2  }
0xb9: {  	s3 =	sand.u32 $0x4000, s31;
	s1 =	sadd.s32 s1, s30  }
0xba: {  	s0 =	sor.u32 s3, s0;
	s1 =	sshll.u32 s1, $0x11  }
0xbb: {  	s0 =	sor.u32 s1, s0  }
0xbc: {  	s0 =	sadd.s32 $0x8F2B, s0  }
0xbd: {  	[sflag:s0] =	ssyncadd.remote.s32 $0x1  }
0xbe: {  	_ =	sfence.sel $0xFFFF  }
0xbf: {  	[dreg:$0x0] =	wrdreg $0xFFFFFFFF;
	(pc) =	sbr.abs _section_cstart, $3  }
0xc0: {  	[dreg:$0x1] =	wrdreg $0xFFFFFFFF  }
0xc1: {  	_ =	task.clear_ibuf [dreg:s7], $0x2FFFF;
	_ =	strace $0x9FFFFFFF  }
0xc2: {  	(tm) =	ssettm $0x7FFFFFFF  }
0xc3: {  	_ =	shalt  }
tec
execute0_lowered:
.L_overlay_start_1:
0x0: {  	(tag) =	ssettag $0x1  }
0x1: {  	s0 =	rddreg [dreg:$0x0]  }
0x2: {  	s5 =	rddreg [dreg:$0x1];
	s3 =	srdreg.scid  }
0x3: {  	s1 =	stileid.u32;
	s2 =	simm.s32 $0x0;
	s26 =	simm.s32 $0x880  }
0x4: {  	s10 =	simm.s32 $0x1880;
	s11 =	simm.s32 $0x2080;
	s12 =	simm.s32 $0x2880  }
0x5: {  	s13 =	simm.s32 $0x3080;
	s14 =	simm.s32 $0x3880;
	s15 =	simm.s32 $0x4080  }
0x6: {  	s16 =	simm.s32 $0x4880;
	s17 =	simm.s32 $0x5080;
	s18 =	simm.s32 $0x5880  }
0x7: {  	s19 =	simm.s32 $0x6080;
	s20 =	simm.s32 $0x6880;
	s21 =	simm.s32 $0x7080  }
0x8: {  	s22 =	simm.s32 $0x7880;
	s23 =	simm.s32 $0x8080;
	s28 =	simm.s32 $0xA080  }
0x9: {  	s29 =	simm.s32 $0xA880;
	s30 =	simm.s32 $0xB080;
	s31 =	simm.s32 $0xB880  }
0xa: {  	s3 =	sand.u32 $0x1, s3;
	s4 =	sshll.u32 s1, $0x1;
	[smem:$0x7FF] =	sst s2  }
0xb: {  	s4 =	sor.u32 s3, s4;
	_ =	strace $0x8000004A;
	s7 =	ssub.s32 $0x2, s3  }
0xc: {  	s3 =	sadd.s32 $0x1E00, s0;
	[dreg:$0x5] =	wrdreg s26;
	s26 =	simm.s32 $0x9880  }
0xd: {  	s6 =	sshll.u32 s4, $0x4;
	s8 =	sshrl.u32 s7, $0x1;
	s9 =	smul.u32 $0x1800, s4  }
0xe: {  	s4 =	sadd.s32 $0x1F00, s0;
	s6 =	sadd.s32 s6, s0;
	s7 =	ssub.s32 s7, s8  }
0xf: {  	s8 =	simm.s32 $0x80;
	s24 =	sadd.s32 $0x1C00, s6;
	s25 =	sadd.s32 s5, s9  }
0x10: {  	v2 =	vlaneseq.u32;
	s5 =	sadd.s32 $0x2000, s0;
	s6 =	smax.u32 s7, $0x1;
	s7 =	simm.s32 $0x2  }
0x11: {  	vm0 =	vmmov $0xffff;
	v1 =	vshrl.u32 v2, $0x3;
	s9 =	simm.s32 $0x1080;
	s0 =	simm.s32 $0x1;
	[dreg:$0x3] =	wrdreg s24  }
0x12: {  	v0 =	vand.u32 $0x7, v2;
	v2 =	vor.u32 $0x8, v2;
	v1 =	vmul.u32 $0x8, v1;
	[dreg:$0x4] =	wrdreg s25;
	s24 =	simm.s32 $0x8880;
	s25 =	simm.s32 $0x9080  }
.LBB2_1:
0x13: {  	s1 =	rddreg [dreg:$0x3]  }
0x14: {  	[tilespmem:s2], [sflag:$0x2] =	stream.linear.gather [hbm4b:s1+s2], $0x80, $0x38;
	[tilespmem:$0xC080] =	vst v63  }
0x15: {  	_ =	swait.ge [sflag:s7], $0x80  }
0x16: {  	[sflag:s7] =	ssyncset.done $0x0  }
0x17: {  	[sflag:s7] =	ssyncadd.s32 $0xFFFFFF80  }
0x18: {  	v3 =	vld [tilespmem:$0x0];
	_ =	sdelay $0x4  }
0x19: {  	v4 =	vshrl.u32 v3, $0x3  }
0x1a: {  	v4 =	vmul.u32 $0x30, v4  }
0x1b: {  	v3 =	vand.u32 $0x7, v3  }
0x1c: {  	v3 =	vor.u32 v3, v4  }
0x1d: {  	v4 =	vperm.xlane v3, v0;
	_ =	sdelay $0x1  }
0x1e: {  	v4 =	vadd.s32 v1, v4;
	_ =	sdelay $0x3  }
0x1f: {  	v3 =	vperm.xlane v3, v2  }
0x20: {  	[tilespmem:s8], [sflag:$0x1] =	stream.indirect_vreg.gather [hbm4b:s3+s2], $0x80, v4, vm0, $0xb8;
	[tilespmem:$0xC080] =	vst v63  }
0x21: {  	s1 =	rddreg [dreg:$0x5];
	v3 =	vadd.s32 v1, v3  }
0x22: {  	[tilespmem:s1], [sflag:$0x1] =	stream.indirect_vreg.gather [hbm4b:s4+s2], $0x80, v4, vm0, $0xb8;
	[tilespmem:$0xC080] =	vst v63  }
0x23: {  	_ = 	snop  }
0x24: {  	[tilespmem:s9], [sflag:$0x1] =	stream.indirect_vreg.gather [hbm4b:s5+s2], $0x80, v4, vm0, $0xb8;
	[tilespmem:$0xC080] =	vst v63  }
0x25: {  	_ = 	snop  }
0x26: {  	[tilespmem:s10], [sflag:$0x1] =	stream.indirect_vreg.gather [hbm4b:s3+s2], $0x80, v3, vm0, $0xb8;
	[tilespmem:$0xC080] =	vst v63  }
0x27: {  	_ = 	snop  }
0x28: {  	[tilespmem:s11], [sflag:$0x1] =	stream.indirect_vreg.gather [hbm4b:s4+s2], $0x80, v3, vm0, $0xb8;
	[tilespmem:$0xC080] =	vst v63  }
0x29: {  	_ = 	snop  }
0x2a: {  	[tilespmem:s12], [sflag:$0x1] =	stream.indirect_vreg.gather [hbm4b:s5+s2], $0x80, v3, vm0, $0xb8;
	[tilespmem:$0xC080] =	vst v63  }
0x2b: {  	v3 =	vld [tilespmem:$0x10];
	_ =	sdelay $0x4  }
0x2c: {  	v61 =	vshrl.u32 v3, $0x3  }
0x2d: {  	v4 =	vmul.u32 $0x30, v61  }
0x2e: {  	v3 =	vand.u32 $0x7, v3  }
0x2f: {  	v3 =	vor.u32 v3, v4  }
0x30: {  	v4 =	vperm.xlane v3, v0;
	_ =	sdelay $0x1  }
0x31: {  	v4 =	vadd.s32 v1, v4;
	_ =	sdelay $0x3  }
0x32: {  	v3 =	vperm.xlane v3, v2  }
0x33: {  	[tilespmem:s13], [sflag:$0x1] =	stream.indirect_vreg.gather [hbm4b:s3+s2], $0x80, v4, vm0, $0xb8;
	[tilespmem:$0xC080] =	vst v63  }
0x34: {  	v3 =	vadd.s32 v1, v3  }
0x35: {  	[tilespmem:s14], [sflag:$0x1] =	stream.indirect_vreg.gather [hbm4b:s4+s2], $0x80, v4, vm0, $0xb8;
	[tilespmem:$0xC080] =	vst v63  }
0x36: {  	_ = 	snop  }
0x37: {  	[tilespmem:s15], [sflag:$0x1] =	stream.indirect_vreg.gather [hbm4b:s5+s2], $0x80, v4, vm0, $0xb8;
	[tilespmem:$0xC080] =	vst v63  }
0x38: {  	_ = 	snop  }
0x39: {  	[tilespmem:s16], [sflag:$0x1] =	stream.indirect_vreg.gather [hbm4b:s3+s2], $0x80, v3, vm0, $0xb8;
	[tilespmem:$0xC080] =	vst v63  }
0x3a: {  	_ = 	snop  }
0x3b: {  	[tilespmem:s17], [sflag:$0x1] =	stream.indirect_vreg.gather [hbm4b:s4+s2], $0x80, v3, vm0, $0xb8;
	[tilespmem:$0xC080] =	vst v63  }
0x3c: {  	_ = 	snop  }
0x3d: {  	[tilespmem:s18], [sflag:$0x1] =	stream.indirect_vreg.gather [hbm4b:s5+s2], $0x80, v3, vm0, $0xb8;
	[tilespmem:$0xC080] =	vst v63  }
0x3e: {  	v3 =	vld [tilespmem:$0x20];
	_ =	sdelay $0x4  }
0x3f: {  	v62 =	vshrl.u32 v3, $0x3  }
0x40: {  	v4 =	vmul.u32 $0x30, v62  }
0x41: {  	v3 =	vand.u32 $0x7, v3  }
0x42: {  	v3 =	vor.u32 v3, v4  }
0x43: {  	v4 =	vperm.xlane v3, v0;
	_ =	sdelay $0x1  }
0x44: {  	v4 =	vadd.s32 v1, v4;
	_ =	sdelay $0x3  }
0x45: {  	v3 =	vperm.xlane v3, v2  }
0x46: {  	[tilespmem:s19], [sflag:$0x1] =	stream.indirect_vreg.gather [hbm4b:s3+s2], $0x80, v4, vm0, $0xb8;
	[tilespmem:$0xC080] =	vst v63  }
0x47: {  	v3 =	vadd.s32 v1, v3  }
0x48: {  	[tilespmem:s20], [sflag:$0x1] =	stream.indirect_vreg.gather [hbm4b:s4+s2], $0x80, v4, vm0, $0xb8;
	[tilespmem:$0xC080] =	vst v63  }
0x49: {  	_ = 	snop  }
0x4a: {  	[tilespmem:s21], [sflag:$0x1] =	stream.indirect_vreg.gather [hbm4b:s5+s2], $0x80, v4, vm0, $0xb8;
	[tilespmem:$0xC080] =	vst v63  }
0x4b: {  	_ = 	snop  }
0x4c: {  	[tilespmem:s22], [sflag:$0x1] =	stream.indirect_vreg.gather [hbm4b:s3+s2], $0x80, v3, vm0, $0xb8;
	[tilespmem:$0xC080] =	vst v63  }
0x4d: {  	_ = 	snop  }
0x4e: {  	[tilespmem:s23], [sflag:$0x1] =	stream.indirect_vreg.gather [hbm4b:s4+s2], $0x80, v3, vm0, $0xb8;
	[tilespmem:$0xC080] =	vst v63  }
0x4f: {  	_ = 	snop  }
0x50: {  	[tilespmem:s24], [sflag:$0x1] =	stream.indirect_vreg.gather [hbm4b:s5+s2], $0x80, v3, vm0, $0xb8;
	[tilespmem:$0xC080] =	vst v63  }
0x51: {  	v3 =	vld [tilespmem:$0x30];
	_ =	sdelay $0x4  }
0x52: {  	v63 =	vshrl.u32 v3, $0x3  }
0x53: {  	v4 =	vmul.u32 $0x30, v63  }
0x54: {  	v3 =	vand.u32 $0x7, v3  }
0x55: {  	v3 =	vor.u32 v3, v4  }
0x56: {  	v4 =	vperm.xlane v3, v0;
	_ =	sdelay $0x1  }
0x57: {  	v4 =	vadd.s32 v1, v4;
	_ =	sdelay $0x3  }
0x58: {  	v3 =	vperm.xlane v3, v2  }
0x59: {  	[tilespmem:s25], [sflag:$0x1] =	stream.indirect_vreg.gather [hbm4b:s3+s2], $0x80, v4, vm0, $0xb8;
	[tilespmem:$0xC080] =	vst v63  }
0x5a: {  	v3 =	vadd.s32 v1, v3  }
0x5b: {  	[tilespmem:s26], [sflag:$0x1] =	stream.indirect_vreg.gather [hbm4b:s4+s2], $0x80, v4, vm0, $0xb8;
	[tilespmem:$0xC080] =	vst v63  }
0x5c: {  	_ = 	snop  }
0x5d: {  	[tilespmem:s28], [sflag:$0x1] =	stream.indirect_vreg.gather [hbm4b:s5+s2], $0x80, v4, vm0, $0xb8;
	[tilespmem:$0xC080] =	vst v63  }
0x5e: {  	_ = 	snop  }
0x5f: {  	[tilespmem:s29], [sflag:$0x1] =	stream.indirect_vreg.gather [hbm4b:s3+s2], $0x80, v3, vm0, $0xb8;
	[tilespmem:$0xC080] =	vst v63  }
0x60: {  	_ = 	snop  }
0x61: {  	[tilespmem:s30], [sflag:$0x1] =	stream.indirect_vreg.gather [hbm4b:s4+s2], $0x80, v3, vm0, $0xb8;
	[tilespmem:$0xC080] =	vst v63  }
0x62: {  	_ = 	snop  }
0x63: {  	[tilespmem:s31], [sflag:$0x1] =	stream.indirect_vreg.gather [hbm4b:s5+s2], $0x80, v3, vm0, $0xb8;
	[tilespmem:$0xC080] =	vst v63  }
0x64: {  	_ =	swait.ge [sflag:s0], $0xC000  }
0x65: {  	p0 =	sne.s32 s6, $0x1;
	[sflag:s0] =	ssyncset.done $0x0  }
.Ltmp0:
0x66: {  	s1 =	rddreg [dreg:$0x4];
	[sflag:s0] =	ssyncadd.s32 $0xFFFF4000;
	(pc) =	sbr.rel @p0 .LBB2_1-.Ltmp0, $4  }
0x67: {  	[hbm4b:s1+s2] =	stream.linear.scatter [tilespmem:s8], [sflag:$0x2], $0xC000, $0x38;
	[tilespmem:$0xC080] =	vst v63  }
0x68: {  	_ =	swait.ge [sflag:s7], $0xC000  }
0x69: {  	[sflag:s7] =	ssyncset.done $0x0  }
0x6a: {  	s6 =	sadd.s32 $0xFFFFFFFF, s6;
	[sflag:s7] =	ssyncadd.s32 $0xFFFF4000  }
0x6b: {  	_ =	sfence.sel $0x180000  }
0x6c: {  	[bflag:$0x0] =	sbarrier.arrive $0xFFFF  }
0x6d: {  	_ =	strace $0x9000004A  }
0x6e: {  	s0 =	stileid.u32;
	[bflag:$0x2] =	sbarrier.arrive $0xFFFF  }
0x6f: {  	p0 =	sne.s32 s0, $0x0;
	s0 =	rddreg [dreg:$0x2]  }
0x70: {  	s0 =	sadd.s32 @!p0 $0x100000, s0  }
0x71: {  	[sflag:s0] =	ssyncadd.tile.s32 @!p0 $0x1;
	_ =	shalt  }
.Lfunc_end2:
_tile_overlayer_lowered:
.L_overlay_start_2:
0x72: {  	(tag) =	ssettag $0x2  }
0x73: {  	s0 =	rddreg [dreg:$0x0];
	s2 =	stileid.u32  }
0x74: {  	s1 =	rddreg [dreg:$0x1];
	p0 =	sne.s32 s2, $0x0  }
0x75: {  	s3 =	rddreg [dreg:$0x2];
	[bflag:$0x3] =	sbarrier.arrive $0xFFFF;
	s2 =	simm.s32 @!p0 $0x1C02  }
0x76: {  	[timem:s3], [sflag:s2] =	dma.local @!p0 [hbm:s0], s1  }
0x77: {  	s0 =	simm.s32 @!p0 $0x2  }
0x78: {  	_ =	swait.ge @!p0 [sflag:s0], s1  }
0x79: {  	s1 =	ssub.s32 @!p0 $0x0, s1;
	[sflag:s0] =	ssyncset.done @!p0 $0x0  }
0x7a: {  	[sflag:s0] =	ssyncadd.s32 @!p0 s1  }
0x7b: {  	[bflag:$0x3] =	sbarrier.arrive $0xFFFF  }
0x7c: {  	_ =	shalt  }

</sc_bundles>
